<compile_context>
chip_gen: v7x
topology: tpu7x:2x2x1
jax: 0.10.2.dev20260603
libtpu: 0.0.44.dev20260713+nightly
codegen_flags: <defaults>
</compile_context>

<pallas_src>
import functools

import jax
import jax.numpy as jnp
from jax import lax
from jax.experimental import pallas as pl
from jax.experimental.pallas import tpu as pltpu
from jax.experimental.pallas import tpu_sc as plsc

D = 768
P, Q, S = 7, 1, 69
N = 5
T = P + Q + S
NC, NS = 2, 16
NW = NC * NS

S_CHUNKS = ((0, 24), (24, 24), (48, 21))
MAX_ROWS = 24

_JOBS = []
for _i in range(N):
    for _off, _sz in S_CHUNKS:
        _JOBS.append(("s", _i, _off, _sz, P + Q + _off))
for _i in range(N):
    _JOBS.append(("p", _i, 0, P, 0))
for _i in range(N):
    _JOBS.append(("q", _i, 0, Q, P))

_mesh = plsc.VectorSubcoreMesh(core_axis_name="c", subcore_axis_name="s")


@functools.partial(
    pl.kernel,
    mesh=_mesh,
    out_type=jax.ShapeDtypeStruct((N, T, D), jnp.float32),
    scratch_types=[
        pltpu.VMEM((24, D), jnp.float32),
        pltpu.VMEM((21, D), jnp.float32),
        pltpu.VMEM((P, D), jnp.float32),
        pltpu.VMEM((1, D), jnp.float32),
    ],
)
def _sc_concat(p_hbm, q_hbm, s_hbm, o_hbm, b24, b21, b7, b1):
    wid = lax.axis_index("s") * NC + lax.axis_index("c")
    for jid, (kind, i, off, rows, dst) in enumerate(_JOBS):

        @pl.when(wid == (jid % NW))
        def _(kind=kind, i=i, off=off, rows=rows, dst=dst):
            if kind == "q":
                pltpu.sync_copy(q_hbm.at[pl.ds(i, 1), :], b1)
                pltpu.sync_copy(b1, o_hbm.at[i, pl.ds(dst, 1), :])
            else:
                buf = {24: b24, 21: b21, P: b7}[rows]
                src = (p_hbm if kind == "p" else s_hbm).at[i, pl.ds(off, rows), :]
                pltpu.sync_copy(src, buf)
                pltpu.sync_copy(buf, o_hbm.at[i, pl.ds(dst, rows), :])


def kernel(embedding_prefix, learnable_quality, embedding_suffix):
    return _sc_concat(embedding_prefix, learnable_quality, embedding_suffix)

# --- scband reference (transcript-rebuilt; emitter-appended) ---
"""Pipeline reference for scband-prompt-learner-lcr-89395449299788 (READ-ONLY COPY).

The authoritative reference and input builder live on the scoring server;
editing this copy changes nothing except your own understanding.
"""

import jax, jax.numpy as jnp
import numpy as np

# CLIP ViT-L/14 style dims: 5 prompts, context length 77, token embedding dim 768.
# embedding = token_embedding(tokenized_prompts) -> [5, 77, 768]
#   prefix  = embedding[:, :7, :]  -> [5, 7, 768]
#   quality = embedding[:, 7, :]   -> [5, 768]    (learnable nn.Parameter)
#   suffix  = embedding[:, 8:, :]  -> [5, 69, 768]

def setup_inputs(seed: int = 0) -> dict:
    key = jax.random.key(seed)
    k1, k2, k3 = jax.random.split(key, 3)
    D = 768
    return {
        "embedding_prefix": jax.random.normal(k1, (5, 7, D), dtype=jnp.float32) * 0.02,
        "learnable_quality": jax.random.normal(k2, (5, D), dtype=jnp.float32) * 0.02,
        "embedding_suffix": jax.random.normal(k3, (5, 69, D), dtype=jnp.float32) * 0.02,
    }

def reference(embedding_prefix, learnable_quality, embedding_suffix):
    lq = learnable_quality
    if lq.ndim == 2:
        lq = lq[:, None, :]
    embeddings = jnp.concatenate((embedding_prefix, lq, embedding_suffix), axis=1)
    return embeddings

if __name__ == "__main__":
    import jax
    _d = setup_inputs()
    print(jax.jit(kernel)(*tuple(_d.values())))

</pallas_src>

<mosaic_0001>
#map = affine_map<(d0, d1) -> (0, 0, 0)>
#map1 = affine_map<(d0, d1) -> (0, 0)>
module attributes {stable_mosaic.version = 14 : i64} {
  func.func @_sc_concat(%arg0: i32, %arg1: i32, %arg2: memref<5x7x768xf32, #tpu.memory_space<hbm>>, %arg3: memref<5x768xf32, #tpu.memory_space<hbm>>, %arg4: memref<5x69x768xf32, #tpu.memory_space<hbm>>, %arg5: memref<5x77x768xf32, #tpu.memory_space<hbm>>, %arg6: memref<24x768xf32, #tpu.memory_space<vmem>>, %arg7: memref<21x768xf32, #tpu.memory_space<vmem>>, %arg8: memref<7x768xf32, #tpu.memory_space<vmem>>, %arg9: memref<1x768xf32, #tpu.memory_space<vmem>>) attributes {dimension_semantics = [#tpu.dimension_semantics<core_parallel>, #tpu.dimension_semantics<subcore_parallel>], iteration_bounds = array<i64: 2, 16>, scalar_prefetch = 0 : i64, scratch_operands = 4 : i64, tpu.core_type = #tpu.core_type<sc_vector_subcore>, window_params = [{transform_indices = #map}, {transform_indices = #map1}, {transform_indices = #map}, {transform_indices = #map}]} {
    %mul3A = arith.constant 2 : i32
    %mul3A_0 = arith.muli %arg1, %mul3A : i32
    %add3A = arith.addi %mul3A_0, %arg0 : i32
    %eq3A = arith.constant 0 : i32
    %eq3A_1 = arith.cmpi eq, %add3A, %eq3A : i32
    %convert_element_type3A = arith.extui %eq3A_1 : i1 to i32
    %cond3A = arith.constant 0 : i32
    %cond3A_2 = arith.cmpi ne, %convert_element_type3A, %cond3A : i32
    scf.if %cond3A_2 {
      %run_scoped3A = arith.constant 0 : i32
      "tpu.region"() ({
        %run_scoped3A_124 = tpu.sem_alloc : memref<!tpu.dma_semaphore, #tpu.memory_space<semaphore_mem>>
        %dma_start3A = arith.constant 0 : i32
        %dma_start3A_125 = arith.constant 0 : i32
        %dma_start3A_126 = tpu.memref_slice %arg4[%run_scoped3A, %dma_start3A, %dma_start3A_125] : memref<5x69x768xf32, #tpu.memory_space<hbm>> -> memref<1x24x768xf32, #tpu.memory_space<hbm>>
        %dma_start3A_127 = tpu.memref_squeeze %dma_start3A_126 : memref<1x24x768xf32, #tpu.memory_space<hbm>> -> memref<24x768xf32, #tpu.memory_space<hbm>>
        %dma_start3A_128 = arith.constant 0 : i32
        %dma_start3A_129 = arith.constant 0 : i32
        %dma_start3A_130 = tpu.memref_slice %arg4[%run_scoped3A, %dma_start3A_128, %dma_start3A_129] : memref<5x69x768xf32, #tpu.memory_space<hbm>> -> memref<1x24x768xf32, #tpu.memory_space<hbm>>
        %dma_start3A_131 = tpu.memref_squeeze %dma_start3A_130 : memref<1x24x768xf32, #tpu.memory_space<hbm>> -> memref<24x768xf32, #tpu.memory_space<hbm>>
        tpu.enqueue_dma source(%dma_start3A_131 : memref<24x768xf32, #tpu.memory_space<hbm>>) target(%arg6 : memref<24x768xf32, #tpu.memory_space<vmem>>) target_semaphore(%run_scoped3A_124 : memref<!tpu.dma_semaphore, #tpu.memory_space<semaphore_mem>>)
        %dma_wait3A = arith.constant 0 : i32
        %dma_wait3A_132 = arith.constant 0 : i32
        %dma_wait3A_133 = tpu.memref_slice %arg4[%run_scoped3A, %dma_wait3A, %dma_wait3A_132] : memref<5x69x768xf32, #tpu.memory_space<hbm>> -> memref<1x24x768xf32, #tpu.memory_space<hbm>>
        %dma_wait3A_134 = tpu.memref_squeeze %dma_wait3A_133 : memref<1x24x768xf32, #tpu.memory_space<hbm>> -> memref<24x768xf32, #tpu.memory_space<hbm>>
        %dma_wait3A_135 = arith.constant 0 : i32
        %dma_wait3A_136 = arith.constant 0 : i32
        %dma_wait3A_137 = tpu.memref_slice %arg4[%run_scoped3A, %dma_wait3A_135, %dma_wait3A_136] : memref<5x69x768xf32, #tpu.memory_space<hbm>> -> memref<1x24x768xf32, #tpu.memory_space<hbm>>
        %dma_wait3A_138 = tpu.memref_squeeze %dma_wait3A_137 : memref<1x24x768xf32, #tpu.memory_space<hbm>> -> memref<24x768xf32, #tpu.memory_space<hbm>>
        tpu.wait_dma2 semaphore(%run_scoped3A_124 : memref<!tpu.dma_semaphore, #tpu.memory_space<semaphore_mem>>) src(%dma_wait3A_138 : memref<24x768xf32, #tpu.memory_space<hbm>>) dst(%arg6 : memref<24x768xf32, #tpu.memory_space<vmem>>)
        tpu.yield
      }) : () -> ()
      %run_scoped3A_123 = arith.constant 0 : i32
      "tpu.region"() ({
        %run_scoped3A_124 = tpu.sem_alloc : memref<!tpu.dma_semaphore, #tpu.memory_space<semaphore_mem>>
        %dma_start3A = arith.constant 8 : i32
        %dma_start3A_125 = arith.constant 0 : i32
        %dma_start3A_126 = tpu.memref_slice %arg5[%run_scoped3A_123, %dma_start3A, %dma_start3A_125] : memref<5x77x768xf32, #tpu.memory_space<hbm>> -> memref<1x24x768xf32, #tpu.memory_space<hbm>>
        %dma_start3A_127 = tpu.memref_squeeze %dma_start3A_126 : memref<1x24x768xf32, #tpu.memory_space<hbm>> -> memref<24x768xf32, #tpu.memory_space<hbm>>
        %dma_start3A_128 = arith.constant 8 : i32
        %dma_start3A_129 = arith.constant 0 : i32
        %dma_start3A_130 = tpu.memref_slice %arg5[%run_scoped3A_123, %dma_start3A_128, %dma_start3A_129] : memref<5x77x768xf32, #tpu.memory_space<hbm>> -> memref<1x24x768xf32, #tpu.memory_space<hbm>>
        %dma_start3A_131 = tpu.memref_squeeze %dma_start3A_130 : memref<1x24x768xf32, #tpu.memory_space<hbm>> -> memref<24x768xf32, #tpu.memory_space<hbm>>
        tpu.enqueue_dma source(%arg6 : memref<24x768xf32, #tpu.memory_space<vmem>>) target(%dma_start3A_131 : memref<24x768xf32, #tpu.memory_space<hbm>>) target_semaphore(%run_scoped3A_124 : memref<!tpu.dma_semaphore, #tpu.memory_space<semaphore_mem>>)
        %dma_wait3A = arith.constant 8 : i32
        %dma_wait3A_132 = arith.constant 0 : i32
        %dma_wait3A_133 = tpu.memref_slice %arg5[%run_scoped3A_123, %dma_wait3A, %dma_wait3A_132] : memref<5x77x768xf32, #tpu.memory_space<hbm>> -> memref<1x24x768xf32, #tpu.memory_space<hbm>>
        %dma_wait3A_134 = tpu.memref_squeeze %dma_wait3A_133 : memref<1x24x768xf32, #tpu.memory_space<hbm>> -> memref<24x768xf32, #tpu.memory_space<hbm>>
        %dma_wait3A_135 = arith.constant 8 : i32
        %dma_wait3A_136 = arith.constant 0 : i32
        %dma_wait3A_137 = tpu.memref_slice %arg5[%run_scoped3A_123, %dma_wait3A_135, %dma_wait3A_136] : memref<5x77x768xf32, #tpu.memory_space<hbm>> -> memref<1x24x768xf32, #tpu.memory_space<hbm>>
        %dma_wait3A_138 = tpu.memref_squeeze %dma_wait3A_137 : memref<1x24x768xf32, #tpu.memory_space<hbm>> -> memref<24x768xf32, #tpu.memory_space<hbm>>
        tpu.wait_dma2 semaphore(%run_scoped3A_124 : memref<!tpu.dma_semaphore, #tpu.memory_space<semaphore_mem>>) src(%arg6 : memref<24x768xf32, #tpu.memory_space<vmem>>) dst(%dma_wait3A_138 : memref<24x768xf32, #tpu.memory_space<hbm>>)
        tpu.yield
      }) : () -> ()
    } else {
    }
    %eq3A_3 = arith.constant 1 : i32
    %eq3A_4 = arith.cmpi eq, %add3A, %eq3A_3 : i32
    %convert_element_type3A_5 = arith.extui %eq3A_4 : i1 to i32
    %cond3A_6 = arith.constant 0 : i32
    %cond3A_7 = arith.cmpi ne, %convert_element_type3A_5, %cond3A_6 : i32
    scf.if %cond3A_7 {
      %run_scoped3A = arith.constant 0 : i32
      "tpu.region"() ({
        %run_scoped3A_124 = tpu.sem_alloc : memref<!tpu.dma_semaphore, #tpu.memory_space<semaphore_mem>>
        %dma_start3A = arith.constant 24 : i32
        %dma_start3A_125 = arith.constant 0 : i32
        %dma_start3A_126 = tpu.memref_slice %arg4[%run_scoped3A, %dma_start3A, %dma_start3A_125] : memref<5x69x768xf32, #tpu.memory_space<hbm>> -> memref<1x24x768xf32, #tpu.memory_space<hbm>>
        %dma_start3A_127 = tpu.memref_squeeze %dma_start3A_126 : memref<1x24x768xf32, #tpu.memory_space<hbm>> -> memref<24x768xf32, #tpu.memory_space<hbm>>
        %dma_start3A_128 = arith.constant 24 : i32
        %dma_start3A_129 = arith.constant 0 : i32
        %dma_start3A_130 = tpu.memref_slice %arg4[%run_scoped3A, %dma_start3A_128, %dma_start3A_129] : memref<5x69x768xf32, #tpu.memory_space<hbm>> -> memref<1x24x768xf32, #tpu.memory_space<hbm>>
        %dma_start3A_131 = tpu.memref_squeeze %dma_start3A_130 : memref<1x24x768xf32, #tpu.memory_space<hbm>> -> memref<24x768xf32, #tpu.memory_space<hbm>>
        tpu.enqueue_dma source(%dma_start3A_131 : memref<24x768xf32, #tpu.memory_space<hbm>>) target(%arg6 : memref<24x768xf32, #tpu.memory_space<vmem>>) target_semaphore(%run_scoped3A_124 : memref<!tpu.dma_semaphore, #tpu.memory_space<semaphore_mem>>)
        %dma_wait3A = arith.constant 24 : i32
        %dma_wait3A_132 = arith.constant 0 : i32
        %dma_wait3A_133 = tpu.memref_slice %arg4[%run_scoped3A, %dma_wait3A, %dma_wait3A_132] : memref<5x69x768xf32, #tpu.memory_space<hbm>> -> memref<1x24x768xf32, #tpu.memory_space<hbm>>
        %dma_wait3A_134 = tpu.memref_squeeze %dma_wait3A_133 : memref<1x24x768xf32, #tpu.memory_space<hbm>> -> memref<24x768xf32, #tpu.memory_space<hbm>>
        %dma_wait3A_135 = arith.constant 24 : i32
        %dma_wait3A_136 = arith.constant 0 : i32
        %dma_wait3A_137 = tpu.memref_slice %arg4[%run_scoped3A, %dma_wait3A_135, %dma_wait3A_136] : memref<5x69x768xf32, #tpu.memory_space<hbm>> -> memref<1x24x768xf32, #tpu.memory_space<hbm>>
        %dma_wait3A_138 = tpu.memref_squeeze %dma_wait3A_137 : memref<1x24x768xf32, #tpu.memory_space<hbm>> -> memref<24x768xf32, #tpu.memory_space<hbm>>
        tpu.wait_dma2 semaphore(%run_scoped3A_124 : memref<!tpu.dma_semaphore, #tpu.memory_space<semaphore_mem>>) src(%dma_wait3A_138 : memref<24x768xf32, #tpu.memory_space<hbm>>) dst(%arg6 : memref<24x768xf32, #tpu.memory_space<vmem>>)
        tpu.yield
      }) : () -> ()
      %run_scoped3A_123 = arith.constant 0 : i32
      "tpu.region"() ({
        %run_scoped3A_124 = tpu.sem_alloc : memref<!tpu.dma_semaphore, #tpu.memory_space<semaphore_mem>>
        %dma_start3A = arith.constant 32 : i32
        %dma_start3A_125 = arith.constant 0 : i32
        %dma_start3A_126 = tpu.memref_slice %arg5[%run_scoped3A_123, %dma_start3A, %dma_start3A_125] : memref<5x77x768xf32, #tpu.memory_space<hbm>> -> memref<1x24x768xf32, #tpu.memory_space<hbm>>
        %dma_start3A_127 = tpu.memref_squeeze %dma_start3A_126 : memref<1x24x768xf32, #tpu.memory_space<hbm>> -> memref<24x768xf32, #tpu.memory_space<hbm>>
        %dma_start3A_128 = arith.constant 32 : i32
        %dma_start3A_129 = arith.constant 0 : i32
        %dma_start3A_130 = tpu.memref_slice %arg5[%run_scoped3A_123, %dma_start3A_128, %dma_start3A_129] : memref<5x77x768xf32, #tpu.memory_space<hbm>> -> memref<1x24x768xf32, #tpu.memory_space<hbm>>
        %dma_start3A_131 = tpu.memref_squeeze %dma_start3A_130 : memref<1x24x768xf32, #tpu.memory_space<hbm>> -> memref<24x768xf32, #tpu.memory_space<hbm>>
        tpu.enqueue_dma source(%arg6 : memref<24x768xf32, #tpu.memory_space<vmem>>) target(%dma_start3A_131 : memref<24x768xf32, #tpu.memory_space<hbm>>) target_semaphore(%run_scoped3A_124 : memref<!tpu.dma_semaphore, #tpu.memory_space<semaphore_mem>>)
        %dma_wait3A = arith.constant 32 : i32
        %dma_wait3A_132 = arith.constant 0 : i32
        %dma_wait3A_133 = tpu.memref_slice %arg5[%run_scoped3A_123, %dma_wait3A, %dma_wait3A_132] : memref<5x77x768xf32, #tpu.memory_space<hbm>> -> memref<1x24x768xf32, #tpu.memory_space<hbm>>
        %dma_wait3A_134 = tpu.memref_squeeze %dma_wait3A_133 : memref<1x24x768xf32, #tpu.memory_space<hbm>> -> memref<24x768xf32, #tpu.memory_space<hbm>>
        %dma_wait3A_135 = arith.constant 32 : i32
        %dma_wait3A_136 = arith.constant 0 : i32
        %dma_wait3A_137 = tpu.memref_slice %arg5[%run_scoped3A_123, %dma_wait3A_135, %dma_wait3A_136] : memref<5x77x768xf32, #tpu.memory_space<hbm>> -> memref<1x24x768xf32, #tpu.memory_space<hbm>>
        %dma_wait3A_138 = tpu.memref_squeeze %dma_wait3A_137 : memref<1x24x768xf32, #tpu.memory_space<hbm>> -> memref<24x768xf32, #tpu.memory_space<hbm>>
        tpu.wait_dma2 semaphore(%run_scoped3A_124 : memref<!tpu.dma_semaphore, #tpu.memory_space<semaphore_mem>>) src(%arg6 : memref<24x768xf32, #tpu.memory_space<vmem>>) dst(%dma_wait3A_138 : memref<24x768xf32, #tpu.memory_space<hbm>>)
        tpu.yield
      }) : () -> ()
    } else {
    }
    %eq3A_8 = arith.constant 2 : i32
    %eq3A_9 = arith.cmpi eq, %add3A, %eq3A_8 : i32
    %convert_element_type3A_10 = arith.extui %eq3A_9 : i1 to i32
    %cond3A_11 = arith.constant 0 : i32
    %cond3A_12 = arith.cmpi ne, %convert_element_type3A_10, %cond3A_11 : i32
    scf.if %cond3A_12 {
      %run_scoped3A = arith.constant 0 : i32
      "tpu.region"() ({
        %run_scoped3A_124 = tpu.sem_alloc : memref<!tpu.dma_semaphore, #tpu.memory_space<semaphore_mem>>
        %dma_start3A = arith.constant 48 : i32
        %dma_start3A_125 = arith.constant 0 : i32
        %dma_start3A_126 = tpu.memref_slice %arg4[%run_scoped3A, %dma_start3A, %dma_start3A_125] : memref<5x69x768xf32, #tpu.memory_space<hbm>> -> memref<1x21x768xf32, #tpu.memory_space<hbm>>
        %dma_start3A_127 = tpu.memref_squeeze %dma_start3A_126 : memref<1x21x768xf32, #tpu.memory_space<hbm>> -> memref<21x768xf32, #tpu.memory_space<hbm>>
        %dma_start3A_128 = arith.constant 48 : i32
        %dma_start3A_129 = arith.constant 0 : i32
        %dma_start3A_130 = tpu.memref_slice %arg4[%run_scoped3A, %dma_start3A_128, %dma_start3A_129] : memref<5x69x768xf32, #tpu.memory_space<hbm>> -> memref<1x21x768xf32, #tpu.memory_space<hbm>>
        %dma_start3A_131 = tpu.memref_squeeze %dma_start3A_130 : memref<1x21x768xf32, #tpu.memory_space<hbm>> -> memref<21x768xf32, #tpu.memory_space<hbm>>
        tpu.enqueue_dma source(%dma_start3A_131 : memref<21x768xf32, #tpu.memory_space<hbm>>) target(%arg7 : memref<21x768xf32, #tpu.memory_space<vmem>>) target_semaphore(%run_scoped3A_124 : memref<!tpu.dma_semaphore, #tpu.memory_space<semaphore_mem>>)
        %dma_wait3A = arith.constant 48 : i32
        %dma_wait3A_132 = arith.constant 0 : i32
        %dma_wait3A_133 = tpu.memref_slice %arg4[%run_scoped3A, %dma_wait3A, %dma_wait3A_132] : memref<5x69x768xf32, #tpu.memory_space<hbm>> -> memref<1x21x768xf32, #tpu.memory_space<hbm>>
        %dma_wait3A_134 = tpu.memref_squeeze %dma_wait3A_133 : memref<1x21x768xf32, #tpu.memory_space<hbm>> -> memref<21x768xf32, #tpu.memory_space<hbm>>
        %dma_wait3A_135 = arith.constant 48 : i32
        %dma_wait3A_136 = arith.constant 0 : i32
        %dma_wait3A_137 = tpu.memref_slice %arg4[%run_scoped3A, %dma_wait3A_135, %dma_wait3A_136] : memref<5x69x768xf32, #tpu.memory_space<hbm>> -> memref<1x21x768xf32, #tpu.memory_space<hbm>>
        %dma_wait3A_138 = tpu.memref_squeeze %dma_wait3A_137 : memref<1x21x768xf32, #tpu.memory_space<hbm>> -> memref<21x768xf32, #tpu.memory_space<hbm>>
        tpu.wait_dma2 semaphore(%run_scoped3A_124 : memref<!tpu.dma_semaphore, #tpu.memory_space<semaphore_mem>>) src(%dma_wait3A_138 : memref<21x768xf32, #tpu.memory_space<hbm>>) dst(%arg7 : memref<21x768xf32, #tpu.memory_space<vmem>>)
        tpu.yield
      }) : () -> ()
      %run_scoped3A_123 = arith.constant 0 : i32
      "tpu.region"() ({
        %run_scoped3A_124 = tpu.sem_alloc : memref<!tpu.dma_semaphore, #tpu.memory_space<semaphore_mem>>
        %dma_start3A = arith.constant 56 : i32
        %dma_start3A_125 = arith.constant 0 : i32
        %dma_start3A_126 = tpu.memref_slice %arg5[%run_scoped3A_123, %dma_start3A, %dma_start3A_125] : memref<5x77x768xf32, #tpu.memory_space<hbm>> -> memref<1x21x768xf32, #tpu.memory_space<hbm>>
        %dma_start3A_127 = tpu.memref_squeeze %dma_start3A_126 : memref<1x21x768xf32, #tpu.memory_space<hbm>> -> memref<21x768xf32, #tpu.memory_space<hbm>>
        %dma_start3A_128 = arith.constant 56 : i32
        %dma_start3A_129 = arith.constant 0 : i32
        %dma_start3A_130 = tpu.memref_slice %arg5[%run_scoped3A_123, %dma_start3A_128, %dma_start3A_129] : memref<5x77x768xf32, #tpu.memory_space<hbm>> -> memref<1x21x768xf32, #tpu.memory_space<hbm>>
        %dma_start3A_131 = tpu.memref_squeeze %dma_start3A_130 : memref<1x21x768xf32, #tpu.memory_space<hbm>> -> memref<21x768xf32, #tpu.memory_space<hbm>>
        tpu.enqueue_dma source(%arg7 : memref<21x768xf32, #tpu.memory_space<vmem>>) target(%dma_start3A_131 : memref<21x768xf32, #tpu.memory_space<hbm>>) target_semaphore(%run_scoped3A_124 : memref<!tpu.dma_semaphore, #tpu.memory_space<semaphore_mem>>)
        %dma_wait3A = arith.constant 56 : i32
        %dma_wait3A_132 = arith.constant 0 : i32
        %dma_wait3A_133 = tpu.memref_slice %arg5[%run_scoped3A_123, %dma_wait3A, %dma_wait3A_132] : memref<5x77x768xf32, #tpu.memory_space<hbm>> -> memref<1x21x768xf32, #tpu.memory_space<hbm>>
        %dma_wait3A_134 = tpu.memref_squeeze %dma_wait3A_133 : memref<1x21x768xf32, #tpu.memory_space<hbm>> -> memref<21x768xf32, #tpu.memory_space<hbm>>
        %dma_wait3A_135 = arith.constant 56 : i32
        %dma_wait3A_136 = arith.constant 0 : i32
        %dma_wait3A_137 = tpu.memref_slice %arg5[%run_scoped3A_123, %dma_wait3A_135, %dma_wait3A_136] : memref<5x77x768xf32, #tpu.memory_space<hbm>> -> memref<1x21x768xf32, #tpu.memory_space<hbm>>
        %dma_wait3A_138 = tpu.memref_squeeze %dma_wait3A_137 : memref<1x21x768xf32, #tpu.memory_space<hbm>> -> memref<21x768xf32, #tpu.memory_space<hbm>>
        tpu.wait_dma2 semaphore(%run_scoped3A_124 : memref<!tpu.dma_semaphore, #tpu.memory_space<semaphore_mem>>) src(%arg7 : memref<21x768xf32, #tpu.memory_space<vmem>>) dst(%dma_wait3A_138 : memref<21x768xf32, #tpu.memory_space<hbm>>)
        tpu.yield
      }) : () -> ()
    } else {
    }
    %eq3A_13 = arith.constant 3 : i32
    %eq3A_14 = arith.cmpi eq, %add3A, %eq3A_13 : i32
    %convert_element_type3A_15 = arith.extui %eq3A_14 : i1 to i32
    %cond3A_16 = arith.constant 0 : i32
    %cond3A_17 = arith.cmpi ne, %convert_element_type3A_15, %cond3A_16 : i32
    scf.if %cond3A_17 {
      %run_scoped3A = arith.constant 1 : i32
      "tpu.region"() ({
        %run_scoped3A_124 = tpu.sem_alloc : memref<!tpu.dma_semaphore, #tpu.memory_space<semaphore_mem>>
        %dma_start3A = arith.constant 0 : i32
        %dma_start3A_125 = arith.constant 0 : i32
        %dma_start3A_126 = tpu.memref_slice %arg4[%run_scoped3A, %dma_start3A, %dma_start3A_125] : memref<5x69x768xf32, #tpu.memory_space<hbm>> -> memref<1x24x768xf32, #tpu.memory_space<hbm>>
        %dma_start3A_127 = tpu.memref_squeeze %dma_start3A_126 : memref<1x24x768xf32, #tpu.memory_space<hbm>> -> memref<24x768xf32, #tpu.memory_space<hbm>>
        %dma_start3A_128 = arith.constant 0 : i32
        %dma_start3A_129 = arith.constant 0 : i32
        %dma_start3A_130 = tpu.memref_slice %arg4[%run_scoped3A, %dma_start3A_128, %dma_start3A_129] : memref<5x69x768xf32, #tpu.memory_space<hbm>> -> memref<1x24x768xf32, #tpu.memory_space<hbm>>
        %dma_start3A_131 = tpu.memref_squeeze %dma_start3A_130 : memref<1x24x768xf32, #tpu.memory_space<hbm>> -> memref<24x768xf32, #tpu.memory_space<hbm>>
        tpu.enqueue_dma source(%dma_start3A_131 : memref<24x768xf32, #tpu.memory_space<hbm>>) target(%arg6 : memref<24x768xf32, #tpu.memory_space<vmem>>) target_semaphore(%run_scoped3A_124 : memref<!tpu.dma_semaphore, #tpu.memory_space<semaphore_mem>>)
        %dma_wait3A = arith.constant 0 : i32
        %dma_wait3A_132 = arith.constant 0 : i32
        %dma_wait3A_133 = tpu.memref_slice %arg4[%run_scoped3A, %dma_wait3A, %dma_wait3A_132] : memref<5x69x768xf32, #tpu.memory_space<hbm>> -> memref<1x24x768xf32, #tpu.memory_space<hbm>>
        %dma_wait3A_134 = tpu.memref_squeeze %dma_wait3A_133 : memref<1x24x768xf32, #tpu.memory_space<hbm>> -> memref<24x768xf32, #tpu.memory_space<hbm>>
        %dma_wait3A_135 = arith.constant 0 : i32
        %dma_wait3A_136 = arith.constant 0 : i32
        %dma_wait3A_137 = tpu.memref_slice %arg4[%run_scoped3A, %dma_wait3A_135, %dma_wait3A_136] : memref<5x69x768xf32, #tpu.memory_space<hbm>> -> memref<1x24x768xf32, #tpu.memory_space<hbm>>
        %dma_wait3A_138 = tpu.memref_squeeze %dma_wait3A_137 : memref<1x24x768xf32, #tpu.memory_space<hbm>> -> memref<24x768xf32, #tpu.memory_space<hbm>>
        tpu.wait_dma2 semaphore(%run_scoped3A_124 : memref<!tpu.dma_semaphore, #tpu.memory_space<semaphore_mem>>) src(%dma_wait3A_138 : memref<24x768xf32, #tpu.memory_space<hbm>>) dst(%arg6 : memref<24x768xf32, #tpu.memory_space<vmem>>)
        tpu.yield
      }) : () -> ()
      %run_scoped3A_123 = arith.constant 1 : i32
      "tpu.region"() ({
        %run_scoped3A_124 = tpu.sem_alloc : memref<!tpu.dma_semaphore, #tpu.memory_space<semaphore_mem>>
        %dma_start3A = arith.constant 8 : i32
        %dma_start3A_125 = arith.constant 0 : i32
        %dma_start3A_126 = tpu.memref_slice %arg5[%run_scoped3A_123, %dma_start3A, %dma_start3A_125] : memref<5x77x768xf32, #tpu.memory_space<hbm>> -> memref<1x24x768xf32, #tpu.memory_space<hbm>>
        %dma_start3A_127 = tpu.memref_squeeze %dma_start3A_126 : memref<1x24x768xf32, #tpu.memory_space<hbm>> -> memref<24x768xf32, #tpu.memory_space<hbm>>
        %dma_start3A_128 = arith.constant 8 : i32
        %dma_start3A_129 = arith.constant 0 : i32
        %dma_start3A_130 = tpu.memref_slice %arg5[%run_scoped3A_123, %dma_start3A_128, %dma_start3A_129] : memref<5x77x768xf32, #tpu.memory_space<hbm>> -> memref<1x24x768xf32, #tpu.memory_space<hbm>>
        %dma_start3A_131 = tpu.memref_squeeze %dma_start3A_130 : memref<1x24x768xf32, #tpu.memory_space<hbm>> -> memref<24x768xf32, #tpu.memory_space<hbm>>
        tpu.enqueue_dma source(%arg6 : memref<24x768xf32, #tpu.memory_space<vmem>>) target(%dma_start3A_131 : memref<24x768xf32, #tpu.memory_space<hbm>>) target_semaphore(%run_scoped3A_124 : memref<!tpu.dma_semaphore, #tpu.memory_space<semaphore_mem>>)
        %dma_wait3A = arith.constant 8 : i32
        %dma_wait3A_132 = arith.constant 0 : i32
        %dma_wait3A_133 = tpu.memref_slice %arg5[%run_scoped3A_123, %dma_wait3A, %dma_wait3A_132] : memref<5x77x768xf32, #tpu.memory_space<hbm>> -> memref<1x24x768xf32, #tpu.memory_space<hbm>>
        %dma_wait3A_134 = tpu.memref_squeeze %dma_wait3A_133 : memref<1x24x768xf32, #tpu.memory_space<hbm>> -> memref<24x768xf32, #tpu.memory_space<hbm>>
        %dma_wait3A_135 = arith.constant 8 : i32
        %dma_wait3A_136 = arith.constant 0 : i32
        %dma_wait3A_137 = tpu.memref_slice %arg5[%run_scoped3A_123, %dma_wait3A_135, %dma_wait3A_136] : memref<5x77x768xf32, #tpu.memory_space<hbm>> -> memref<1x24x768xf32, #tpu.memory_space<hbm>>
        %dma_wait3A_138 = tpu.memref_squeeze %dma_wait3A_137 : memref<1x24x768xf32, #tpu.memory_space<hbm>> -> memref<24x768xf32, #tpu.memory_space<hbm>>
        tpu.wait_dma2 semaphore(%run_scoped3A_124 : memref<!tpu.dma_semaphore, #tpu.memory_space<semaphore_mem>>) src(%arg6 : memref<24x768xf32, #tpu.memory_space<vmem>>) dst(%dma_wait3A_138 : memref<24x768xf32, #tpu.memory_space<hbm>>)
        tpu.yield
      }) : () -> ()
    } else {
    }
    %eq3A_18 = arith.constant 4 : i32
    %eq3A_19 = arith.cmpi eq, %add3A, %eq3A_18 : i32
    %convert_element_type3A_20 = arith.extui %eq3A_19 : i1 to i32
    %cond3A_21 = arith.constant 0 : i32
    %cond3A_22 = arith.cmpi ne, %convert_element_type3A_20, %cond3A_21 : i32
    scf.if %cond3A_22 {
      %run_scoped3A = arith.constant 1 : i32
      "tpu.region"() ({
        %run_scoped3A_124 = tpu.sem_alloc : memref<!tpu.dma_semaphore, #tpu.memory_space<semaphore_mem>>
        %dma_start3A = arith.constant 24 : i32
        %dma_start3A_125 = arith.constant 0 : i32
        %dma_start3A_126 = tpu.memref_slice %arg4[%run_scoped3A, %dma_start3A, %dma_start3A_125] : memref<5x69x768xf32, #tpu.memory_space<hbm>> -> memref<1x24x768xf32, #tpu.memory_space<hbm>>
        %dma_start3A_127 = tpu.memref_squeeze %dma_start3A_126 : memref<1x24x768xf32, #tpu.memory_space<hbm>> -> memref<24x768xf32, #tpu.memory_space<hbm>>
        %dma_start3A_128 = arith.constant 24 : i32
        %dma_start3A_129 = arith.constant 0 : i32
        %dma_start3A_130 = tpu.memref_slice %arg4[%run_scoped3A, %dma_start3A_128, %dma_start3A_129] : memref<5x69x768xf32, #tpu.memory_space<hbm>> -> memref<1x24x768xf32, #tpu.memory_space<hbm>>
        %dma_start3A_131 = tpu.memref_squeeze %dma_start3A_130 : memref<1x24x768xf32, #tpu.memory_space<hbm>> -> memref<24x768xf32, #tpu.memory_space<hbm>>
        tpu.enqueue_dma source(%dma_start3A_131 : memref<24x768xf32, #tpu.memory_space<hbm>>) target(%arg6 : memref<24x768xf32, #tpu.memory_space<vmem>>) target_semaphore(%run_scoped3A_124 : memref<!tpu.dma_semaphore, #tpu.memory_space<semaphore_mem>>)
        %dma_wait3A = arith.constant 24 : i32
        %dma_wait3A_132 = arith.constant 0 : i32
        %dma_wait3A_133 = tpu.memref_slice %arg4[%run_scoped3A, %dma_wait3A, %dma_wait3A_132] : memref<5x69x768xf32, #tpu.memory_space<hbm>> -> memref<1x24x768xf32, #tpu.memory_space<hbm>>
        %dma_wait3A_134 = tpu.memref_squeeze %dma_wait3A_133 : memref<1x24x768xf32, #tpu.memory_space<hbm>> -> memref<24x768xf32, #tpu.memory_space<hbm>>
        %dma_wait3A_135 = arith.constant 24 : i32
        %dma_wait3A_136 = arith.constant 0 : i32
        %dma_wait3A_137 = tpu.memref_slice %arg4[%run_scoped3A, %dma_wait3A_135, %dma_wait3A_136] : memref<5x69x768xf32, #tpu.memory_space<hbm>> -> memref<1x24x768xf32, #tpu.memory_space<hbm>>
        %dma_wait3A_138 = tpu.memref_squeeze %dma_wait3A_137 : memref<1x24x768xf32, #tpu.memory_space<hbm>> -> memref<24x768xf32, #tpu.memory_space<hbm>>
        tpu.wait_dma2 semaphore(%run_scoped3A_124 : memref<!tpu.dma_semaphore, #tpu.memory_space<semaphore_mem>>) src(%dma_wait3A_138 : memref<24x768xf32, #tpu.memory_space<hbm>>) dst(%arg6 : memref<24x768xf32, #tpu.memory_space<vmem>>)
        tpu.yield
      }) : () -> ()
      %run_scoped3A_123 = arith.constant 1 : i32
      "tpu.region"() ({
        %run_scoped3A_124 = tpu.sem_alloc : memref<!tpu.dma_semaphore, #tpu.memory_space<semaphore_mem>>
        %dma_start3A = arith.constant 32 : i32
        %dma_start3A_125 = arith.constant 0 : i32
        %dma_start3A_126 = tpu.memref_slice %arg5[%run_scoped3A_123, %dma_start3A, %dma_start3A_125] : memref<5x77x768xf32, #tpu.memory_space<hbm>> -> memref<1x24x768xf32, #tpu.memory_space<hbm>>
        %dma_start3A_127 = tpu.memref_squeeze %dma_start3A_126 : memref<1x24x768xf32, #tpu.memory_space<hbm>> -> memref<24x768xf32, #tpu.memory_space<hbm>>
        %dma_start3A_128 = arith.constant 32 : i32
        %dma_start3A_129 = arith.constant 0 : i32
        %dma_start3A_130 = tpu.memref_slice %arg5[%run_scoped3A_123, %dma_start3A_128, %dma_start3A_129] : memref<5x77x768xf32, #tpu.memory_space<hbm>> -> memref<1x24x768xf32, #tpu.memory_space<hbm>>
        %dma_start3A_131 = tpu.memref_squeeze %dma_start3A_130 : memref<1x24x768xf32, #tpu.memory_space<hbm>> -> memref<24x768xf32, #tpu.memory_space<hbm>>
        tpu.enqueue_dma source(%arg6 : memref<24x768xf32, #tpu.memory_space<vmem>>) target(%dma_start3A_131 : memref<24x768xf32, #tpu.memory_space<hbm>>) target_semaphore(%run_scoped3A_124 : memref<!tpu.dma_semaphore, #tpu.memory_space<semaphore_mem>>)
        %dma_wait3A = arith.constant 32 : i32
        %dma_wait3A_132 = arith.constant 0 : i32
        %dma_wait3A_133 = tpu.memref_slice %arg5[%run_scoped3A_123, %dma_wait3A, %dma_wait3A_132] : memref<5x77x768xf32, #tpu.memory_space<hbm>> -> memref<1x24x768xf32, #tpu.memory_space<hbm>>
        %dma_wait3A_134 = tpu.memref_squeeze %dma_wait3A_133 : memref<1x24x768xf32, #tpu.memory_space<hbm>> -> memref<24x768xf32, #tpu.memory_space<hbm>>
        %dma_wait3A_135 = arith.constant 32 : i32
        %dma_wait3A_136 = arith.constant 0 : i32
        %dma_wait3A_137 = tpu.memref_slice %arg5[%run_scoped3A_123, %dma_wait3A_135, %dma_wait3A_136] : memref<5x77x768xf32, #tpu.memory_space<hbm>> -> memref<1x24x768xf32, #tpu.memory_space<hbm>>
        %dma_wait3A_138 = tpu.memref_squeeze %dma_wait3A_137 : memref<1x24x768xf32, #tpu.memory_space<hbm>> -> memref<24x768xf32, #tpu.memory_space<hbm>>
        tpu.wait_dma2 semaphore(%run_scoped3A_124 : memref<!tpu.dma_semaphore, #tpu.memory_space<semaphore_mem>>) src(%arg6 : memref<24x768xf32, #tpu.memory_space<vmem>>) dst(%dma_wait3A_138 : memref<24x768xf32, #tpu.memory_space<hbm>>)
        tpu.yield
      }) : () -> ()
    } else {
    }
    %eq3A_23 = arith.constant 5 : i32
    %eq3A_24 = arith.cmpi eq, %add3A, %eq3A_23 : i32
    %convert_element_type3A_25 = arith.extui %eq3A_24 : i1 to i32
    %cond3A_26 = arith.constant 0 : i32
    %cond3A_27 = arith.cmpi ne, %convert_element_type3A_25, %cond3A_26 : i32
    scf.if %cond3A_27 {
      %run_scoped3A = arith.constant 1 : i32
      "tpu.region"() ({
        %run_scoped3A_124 = tpu.sem_alloc : memref<!tpu.dma_semaphore, #tpu.memory_space<semaphore_mem>>
        %dma_start3A = arith.constant 48 : i32
        %dma_start3A_125 = arith.constant 0 : i32
        %dma_start3A_126 = tpu.memref_slice %arg4[%run_scoped3A, %dma_start3A, %dma_start3A_125] : memref<5x69x768xf32, #tpu.memory_space<hbm>> -> memref<1x21x768xf32, #tpu.memory_space<hbm>>
        %dma_start3A_127 = tpu.memref_squeeze %dma_start3A_126 : memref<1x21x768xf32, #tpu.memory_space<hbm>> -> memref<21x768xf32, #tpu.memory_space<hbm>>
        %dma_start3A_128 = arith.constant 48 : i32
        %dma_start3A_129 = arith.constant 0 : i32
        %dma_start3A_130 = tpu.memref_slice %arg4[%run_scoped3A, %dma_start3A_128, %dma_start3A_129] : memref<5x69x768xf32, #tpu.memory_space<hbm>> -> memref<1x21x768xf32, #tpu.memory_space<hbm>>
        %dma_start3A_131 = tpu.memref_squeeze %dma_start3A_130 : memref<1x21x768xf32, #tpu.memory_space<hbm>> -> memref<21x768xf32, #tpu.memory_space<hbm>>
        tpu.enqueue_dma source(%dma_start3A_131 : memref<21x768xf32, #tpu.memory_space<hbm>>) target(%arg7 : memref<21x768xf32, #tpu.memory_space<vmem>>) target_semaphore(%run_scoped3A_124 : memref<!tpu.dma_semaphore, #tpu.memory_space<semaphore_mem>>)
        %dma_wait3A = arith.constant 48 : i32
        %dma_wait3A_132 = arith.constant 0 : i32
        %dma_wait3A_133 = tpu.memref_slice %arg4[%run_scoped3A, %dma_wait3A, %dma_wait3A_132] : memref<5x69x768xf32, #tpu.memory_space<hbm>> -> memref<1x21x768xf32, #tpu.memory_space<hbm>>
        %dma_wait3A_134 = tpu.memref_squeeze %dma_wait3A_133 : memref<1x21x768xf32, #tpu.memory_space<hbm>> -> memref<21x768xf32, #tpu.memory_space<hbm>>
        %dma_wait3A_135 = arith.constant 48 : i32
        %dma_wait3A_136 = arith.constant 0 : i32
        %dma_wait3A_137 = tpu.memref_slice %arg4[%run_scoped3A, %dma_wait3A_135, %dma_wait3A_136] : memref<5x69x768xf32, #tpu.memory_space<hbm>> -> memref<1x21x768xf32, #tpu.memory_space<hbm>>
        %dma_wait3A_138 = tpu.memref_squeeze %dma_wait3A_137 : memref<1x21x768xf32, #tpu.memory_space<hbm>> -> memref<21x768xf32, #tpu.memory_space<hbm>>
        tpu.wait_dma2 semaphore(%run_scoped3A_124 : memref<!tpu.dma_semaphore, #tpu.memory_space<semaphore_mem>>) src(%dma_wait3A_138 : memref<21x768xf32, #tpu.memory_space<hbm>>) dst(%arg7 : memref<21x768xf32, #tpu.memory_space<vmem>>)
        tpu.yield
      }) : () -> ()
      %run_scoped3A_123 = arith.constant 1 : i32
      "tpu.region"() ({
        %run_scoped3A_124 = tpu.sem_alloc : memref<!tpu.dma_semaphore, #tpu.memory_space<semaphore_mem>>
        %dma_start3A = arith.constant 56 : i32
        %dma_start3A_125 = arith.constant 0 : i32
        %dma_start3A_126 = tpu.memref_slice %arg5[%run_scoped3A_123, %dma_start3A, %dma_start3A_125] : memref<5x77x768xf32, #tpu.memory_space<hbm>> -> memref<1x21x768xf32, #tpu.memory_space<hbm>>
        %dma_start3A_127 = tpu.memref_squeeze %dma_start3A_126 : memref<1x21x768xf32, #tpu.memory_space<hbm>> -> memref<21x768xf32, #tpu.memory_space<hbm>>
        %dma_start3A_128 = arith.constant 56 : i32
        %dma_start3A_129 = arith.constant 0 : i32
        %dma_start3A_130 = tpu.memref_slice %arg5[%run_scoped3A_123, %dma_start3A_128, %dma_start3A_129] : memref<5x77x768xf32, #tpu.memory_space<hbm>> -> memref<1x21x768xf32, #tpu.memory_space<hbm>>
        %dma_start3A_131 = tpu.memref_squeeze %dma_start3A_130 : memref<1x21x768xf32, #tpu.memory_space<hbm>> -> memref<21x768xf32, #tpu.memory_space<hbm>>
        tpu.enqueue_dma source(%arg7 : memref<21x768xf32, #tpu.memory_space<vmem>>) target(%dma_start3A_131 : memref<21x768xf32, #tpu.memory_space<hbm>>) target_semaphore(%run_scoped3A_124 : memref<!tpu.dma_semaphore, #tpu.memory_space<semaphore_mem>>)
        %dma_wait3A = arith.constant 56 : i32
        %dma_wait3A_132 = arith.constant 0 : i32
        %dma_wait3A_133 = tpu.memref_slice %arg5[%run_scoped3A_123, %dma_wait3A, %dma_wait3A_132] : memref<5x77x768xf32, #tpu.memory_space<hbm>> -> memref<1x21x768xf32, #tpu.memory_space<hbm>>
        %dma_wait3A_134 = tpu.memref_squeeze %dma_wait3A_133 : memref<1x21x768xf32, #tpu.memory_space<hbm>> -> memref<21x768xf32, #tpu.memory_space<hbm>>
        %dma_wait3A_135 = arith.constant 56 : i32
        %dma_wait3A_136 = arith.constant 0 : i32
        %dma_wait3A_137 = tpu.memref_slice %arg5[%run_scoped3A_123, %dma_wait3A_135, %dma_wait3A_136] : memref<5x77x768xf32, #tpu.memory_space<hbm>> -> memref<1x21x768xf32, #tpu.memory_space<hbm>>
        %dma_wait3A_138 = tpu.memref_squeeze %dma_wait3A_137 : memref<1x21x768xf32, #tpu.memory_space<hbm>> -> memref<21x768xf32, #tpu.memory_space<hbm>>
        tpu.wait_dma2 semaphore(%run_scoped3A_124 : memref<!tpu.dma_semaphore, #tpu.memory_space<semaphore_mem>>) src(%arg7 : memref<21x768xf32, #tpu.memory_space<vmem>>) dst(%dma_wait3A_138 : memref<21x768xf32, #tpu.memory_space<hbm>>)
        tpu.yield
      }) : () -> ()
    } else {
    }
    %eq3A_28 = arith.constant 6 : i32
    %eq3A_29 = arith.cmpi eq, %add3A, %eq3A_28 : i32
    %convert_element_type3A_30 = arith.extui %eq3A_29 : i1 to i32
    %cond3A_31 = arith.constant 0 : i32
    %cond3A_32 = arith.cmpi ne, %convert_element_type3A_30, %cond3A_31 : i32
    scf.if %cond3A_32 {
      %run_scoped3A = arith.constant 2 : i32
      "tpu.region"() ({
        %run_scoped3A_124 = tpu.sem_alloc : memref<!tpu.dma_semaphore, #tpu.memory_space<semaphore_mem>>
        %dma_start3A = arith.constant 0 : i32
        %dma_start3A_125 = arith.constant 0 : i32
        %dma_start3A_126 = tpu.memref_slice %arg4[%run_scoped3A, %dma_start3A, %dma_start3A_125] : memref<5x69x768xf32, #tpu.memory_space<hbm>> -> memref<1x24x768xf32, #tpu.memory_space<hbm>>
        %dma_start3A_127 = tpu.memref_squeeze %dma_start3A_126 : memref<1x24x768xf32, #tpu.memory_space<hbm>> -> memref<24x768xf32, #tpu.memory_space<hbm>>
        %dma_start3A_128 = arith.constant 0 : i32
        %dma_start3A_129 = arith.constant 0 : i32
        %dma_start3A_130 = tpu.memref_slice %arg4[%run_scoped3A, %dma_start3A_128, %dma_start3A_129] : memref<5x69x768xf32, #tpu.memory_space<hbm>> -> memref<1x24x768xf32, #tpu.memory_space<hbm>>
        %dma_start3A_131 = tpu.memref_squeeze %dma_start3A_130 : memref<1x24x768xf32, #tpu.memory_space<hbm>> -> memref<24x768xf32, #tpu.memory_space<hbm>>
        tpu.enqueue_dma source(%dma_start3A_131 : memref<24x768xf32, #tpu.memory_space<hbm>>) target(%arg6 : memref<24x768xf32, #tpu.memory_space<vmem>>) target_semaphore(%run_scoped3A_124 : memref<!tpu.dma_semaphore, #tpu.memory_space<semaphore_mem>>)
        %dma_wait3A = arith.constant 0 : i32
        %dma_wait3A_132 = arith.constant 0 : i32
        %dma_wait3A_133 = tpu.memref_slice %arg4[%run_scoped3A, %dma_wait3A, %dma_wait3A_132] : memref<5x69x768xf32, #tpu.memory_space<hbm>> -> memref<1x24x768xf32, #tpu.memory_space<hbm>>
        %dma_wait3A_134 = tpu.memref_squeeze %dma_wait3A_133 : memref<1x24x768xf32, #tpu.memory_space<hbm>> -> memref<24x768xf32, #tpu.memory_space<hbm>>
        %dma_wait3A_135 = arith.constant 0 : i32
        %dma_wait3A_136 = arith.constant 0 : i32
        %dma_wait3A_137 = tpu.memref_slice %arg4[%run_scoped3A, %dma_wait3A_135, %dma_wait3A_136] : memref<5x69x768xf32, #tpu.memory_space<hbm>> -> memref<1x24x768xf32, #tpu.memory_space<hbm>>
        %dma_wait3A_138 = tpu.memref_squeeze %dma_wait3A_137 : memref<1x24x768xf32, #tpu.memory_space<hbm>> -> memref<24x768xf32, #tpu.memory_space<hbm>>
        tpu.wait_dma2 semaphore(%run_scoped3A_124 : memref<!tpu.dma_semaphore, #tpu.memory_space<semaphore_mem>>) src(%dma_wait3A_138 : memref<24x768xf32, #tpu.memory_space<hbm>>) dst(%arg6 : memref<24x768xf32, #tpu.memory_space<vmem>>)
        tpu.yield
      }) : () -> ()
      %run_scoped3A_123 = arith.constant 2 : i32
      "tpu.region"() ({
        %run_scoped3A_124 = tpu.sem_alloc : memref<!tpu.dma_semaphore, #tpu.memory_space<semaphore_mem>>
        %dma_start3A = arith.constant 8 : i32
        %dma_start3A_125 = arith.constant 0 : i32
        %dma_start3A_126 = tpu.memref_slice %arg5[%run_scoped3A_123, %dma_start3A, %dma_start3A_125] : memref<5x77x768xf32, #tpu.memory_space<hbm>> -> memref<1x24x768xf32, #tpu.memory_space<hbm>>
        %dma_start3A_127 = tpu.memref_squeeze %dma_start3A_126 : memref<1x24x768xf32, #tpu.memory_space<hbm>> -> memref<24x768xf32, #tpu.memory_space<hbm>>
        %dma_start3A_128 = arith.constant 8 : i32
        %dma_start3A_129 = arith.constant 0 : i32
        %dma_start3A_130 = tpu.memref_slice %arg5[%run_scoped3A_123, %dma_start3A_128, %dma_start3A_129] : memref<5x77x768xf32, #tpu.memory_space<hbm>> -> memref<1x24x768xf32, #tpu.memory_space<hbm>>
        %dma_start3A_131 = tpu.memref_squeeze %dma_start3A_130 : memref<1x24x768xf32, #tpu.memory_space<hbm>> -> memref<24x768xf32, #tpu.memory_space<hbm>>
        tpu.enqueue_dma source(%arg6 : memref<24x768xf32, #tpu.memory_space<vmem>>) target(%dma_start3A_131 : memref<24x768xf32, #tpu.memory_space<hbm>>) target_semaphore(%run_scoped3A_124 : memref<!tpu.dma_semaphore, #tpu.memory_space<semaphore_mem>>)
        %dma_wait3A = arith.constant 8 : i32
        %dma_wait3A_132 = arith.constant 0 : i32
        %dma_wait3A_133 = tpu.memref_slice %arg5[%run_scoped3A_123, %dma_wait3A, %dma_wait3A_132] : memref<5x77x768xf32, #tpu.memory_space<hbm>> -> memref<1x24x768xf32, #tpu.memory_space<hbm>>
        %dma_wait3A_134 = tpu.memref_squeeze %dma_wait3A_133 : memref<1x24x768xf32, #tpu.memory_space<hbm>> -> memref<24x768xf32, #tpu.memory_space<hbm>>
        %dma_wait3A_135 = arith.constant 8 : i32
        %dma_wait3A_136 = arith.constant 0 : i32
        %dma_wait3A_137 = tpu.memref_slice %arg5[%run_scoped3A_123, %dma_wait3A_135, %dma_wait3A_136] : memref<5x77x768xf32, #tpu.memory_space<hbm>> -> memref<1x24x768xf32, #tpu.memory_space<hbm>>
        %dma_wait3A_138 = tpu.memref_squeeze %dma_wait3A_137 : memref<1x24x768xf32, #tpu.memory_space<hbm>> -> memref<24x768xf32, #tpu.memory_space<hbm>>
        tpu.wait_dma2 semaphore(%run_scoped3A_124 : memref<!tpu.dma_semaphore, #tpu.memory_space<semaphore_mem>>) src(%arg6 : memref<24x768xf32, #tpu.memory_space<vmem>>) dst(%dma_wait3A_138 : memref<24x768xf32, #tpu.memory_space<hbm>>)
        tpu.yield
      }) : () -> ()
    } else {
    }
    %eq3A_33 = arith.constant 7 : i32
    %eq3A_34 = arith.cmpi eq, %add3A, %eq3A_33 : i32
    %convert_element_type3A_35 = arith.extui %eq3A_34 : i1 to i32
    %cond3A_36 = arith.constant 0 : i32
    %cond3A_37 = arith.cmpi ne, %convert_element_type3A_35, %cond3A_36 : i32
    scf.if %cond3A_37 {
      %run_scoped3A = arith.constant 2 : i32
      "tpu.region"() ({
        %run_scoped3A_124 = tpu.sem_alloc : memref<!tpu.dma_semaphore, #tpu.memory_space<semaphore_mem>>
        %dma_start3A = arith.constant 24 : i32
        %dma_start3A_125 = arith.constant 0 : i32
        %dma_start3A_126 = tpu.memref_slice %arg4[%run_scoped3A, %dma_start3A, %dma_start3A_125] : memref<5x69x768xf32, #tpu.memory_space<hbm>> -> memref<1x24x768xf32, #tpu.memory_space<hbm>>
        %dma_start3A_127 = tpu.memref_squeeze %dma_start3A_126 : memref<1x24x768xf32, #tpu.memory_space<hbm>> -> memref<24x768xf32, #tpu.memory_space<hbm>>
        %dma_start3A_128 = arith.constant 24 : i32
        %dma_start3A_129 = arith.constant 0 : i32
        %dma_start3A_130 = tpu.memref_slice %arg4[%run_scoped3A, %dma_start3A_128, %dma_start3A_129] : memref<5x69x768xf32, #tpu.memory_space<hbm>> -> memref<1x24x768xf32, #tpu.memory_space<hbm>>
        %dma_start3A_131 = tpu.memref_squeeze %dma_start3A_130 : memref<1x24x768xf32, #tpu.memory_space<hbm>> -> memref<24x768xf32, #tpu.memory_space<hbm>>
        tpu.enqueue_dma source(%dma_start3A_131 : memref<24x768xf32, #tpu.memory_space<hbm>>) target(%arg6 : memref<24x768xf32, #tpu.memory_space<vmem>>) target_semaphore(%run_scoped3A_124 : memref<!tpu.dma_semaphore, #tpu.memory_space<semaphore_mem>>)
        %dma_wait3A = arith.constant 24 : i32
        %dma_wait3A_132 = arith.constant 0 : i32
        %dma_wait3A_133 = tpu.memref_slice %arg4[%run_scoped3A, %dma_wait3A, %dma_wait3A_132] : memref<5x69x768xf32, #tpu.memory_space<hbm>> -> memref<1x24x768xf32, #tpu.memory_space<hbm>>
        %dma_wait3A_134 = tpu.memref_squeeze %dma_wait3A_133 : memref<1x24x768xf32, #tpu.memory_space<hbm>> -> memref<24x768xf32, #tpu.memory_space<hbm>>
        %dma_wait3A_135 = arith.constant 24 : i32
        %dma_wait3A_136 = arith.constant 0 : i32
        %dma_wait3A_137 = tpu.memref_slice %arg4[%run_scoped3A, %dma_wait3A_135, %dma_wait3A_136] : memref<5x69x768xf32, #tpu.memory_space<hbm>> -> memref<1x24x768xf32, #tpu.memory_space<hbm>>
        %dma_wait3A_138 = tpu.memref_squeeze %dma_wait3A_137 : memref<1x24x768xf32, #tpu.memory_space<hbm>> -> memref<24x768xf32, #tpu.memory_space<hbm>>
        tpu.wait_dma2 semaphore(%run_scoped3A_124 : memref<!tpu.dma_semaphore, #tpu.memory_space<semaphore_mem>>) src(%dma_wait3A_138 : memref<24x768xf32, #tpu.memory_space<hbm>>) dst(%arg6 : memref<24x768xf32, #tpu.memory_space<vmem>>)
        tpu.yield
      }) : () -> ()
      %run_scoped3A_123 = arith.constant 2 : i32
      "tpu.region"() ({
        %run_scoped3A_124 = tpu.sem_alloc : memref<!tpu.dma_semaphore, #tpu.memory_space<semaphore_mem>>
        %dma_start3A = arith.constant 32 : i32
        %dma_start3A_125 = arith.constant 0 : i32
        %dma_start3A_126 = tpu.memref_slice %arg5[%run_scoped3A_123, %dma_start3A, %dma_start3A_125] : memref<5x77x768xf32, #tpu.memory_space<hbm>> -> memref<1x24x768xf32, #tpu.memory_space<hbm>>
        %dma_start3A_127 = tpu.memref_squeeze %dma_start3A_126 : memref<1x24x768xf32, #tpu.memory_space<hbm>> -> memref<24x768xf32, #tpu.memory_space<hbm>>
        %dma_start3A_128 = arith.constant 32 : i32
        %dma_start3A_129 = arith.constant 0 : i32
        %dma_start3A_130 = tpu.memref_slice %arg5[%run_scoped3A_123, %dma_start3A_128, %dma_start3A_129] : memref<5x77x768xf32, #tpu.memory_space<hbm>> -> memref<1x24x768xf32, #tpu.memory_space<hbm>>
        %dma_start3A_131 = tpu.memref_squeeze %dma_start3A_130 : memref<1x24x768xf32, #tpu.memory_space<hbm>> -> memref<24x768xf32, #tpu.memory_space<hbm>>
        tpu.enqueue_dma source(%arg6 : memref<24x768xf32, #tpu.memory_space<vmem>>) target(%dma_start3A_131 : memref<24x768xf32, #tpu.memory_space<hbm>>) target_semaphore(%run_scoped3A_124 : memref<!tpu.dma_semaphore, #tpu.memory_space<semaphore_mem>>)
        %dma_wait3A = arith.constant 32 : i32
        %dma_wait3A_132 = arith.constant 0 : i32
        %dma_wait3A_133 = tpu.memref_slice %arg5[%run_scoped3A_123, %dma_wait3A, %dma_wait3A_132] : memref<5x77x768xf32, #tpu.memory_space<hbm>> -> memref<1x24x768xf32, #tpu.memory_space<hbm>>
        %dma_wait3A_134 = tpu.memref_squeeze %dma_wait3A_133 : memref<1x24x768xf32, #tpu.memory_space<hbm>> -> memref<24x768xf32, #tpu.memory_space<hbm>>
        %dma_wait3A_135 = arith.constant 32 : i32
        %dma_wait3A_136 = arith.constant 0 : i32
        %dma_wait3A_137 = tpu.memref_slice %arg5[%run_scoped3A_123, %dma_wait3A_135, %dma_wait3A_136] : memref<5x77x768xf32, #tpu.memory_space<hbm>> -> memref<1x24x768xf32, #tpu.memory_space<hbm>>
        %dma_wait3A_138 = tpu.memref_squeeze %dma_wait3A_137 : memref<1x24x768xf32, #tpu.memory_space<hbm>> -> memref<24x768xf32, #tpu.memory_space<hbm>>
        tpu.wait_dma2 semaphore(%run_scoped3A_124 : memref<!tpu.dma_semaphore, #tpu.memory_space<semaphore_mem>>) src(%arg6 : memref<24x768xf32, #tpu.memory_space<vmem>>) dst(%dma_wait3A_138 : memref<24x768xf32, #tpu.memory_space<hbm>>)
        tpu.yield
      }) : () -> ()
    } else {
    }
    %eq3A_38 = arith.constant 8 : i32
    %eq3A_39 = arith.cmpi eq, %add3A, %eq3A_38 : i32
    %convert_element_type3A_40 = arith.extui %eq3A_39 : i1 to i32
    %cond3A_41 = arith.constant 0 : i32
    %cond3A_42 = arith.cmpi ne, %convert_element_type3A_40, %cond3A_41 : i32
    scf.if %cond3A_42 {
      %run_scoped3A = arith.constant 2 : i32
      "tpu.region"() ({
        %run_scoped3A_124 = tpu.sem_alloc : memref<!tpu.dma_semaphore, #tpu.memory_space<semaphore_mem>>
        %dma_start3A = arith.constant 48 : i32
        %dma_start3A_125 = arith.constant 0 : i32
        %dma_start3A_126 = tpu.memref_slice %arg4[%run_scoped3A, %dma_start3A, %dma_start3A_125] : memref<5x69x768xf32, #tpu.memory_space<hbm>> -> memref<1x21x768xf32, #tpu.memory_space<hbm>>
        %dma_start3A_127 = tpu.memref_squeeze %dma_start3A_126 : memref<1x21x768xf32, #tpu.memory_space<hbm>> -> memref<21x768xf32, #tpu.memory_space<hbm>>
        %dma_start3A_128 = arith.constant 48 : i32
        %dma_start3A_129 = arith.constant 0 : i32
        %dma_start3A_130 = tpu.memref_slice %arg4[%run_scoped3A, %dma_start3A_128, %dma_start3A_129] : memref<5x69x768xf32, #tpu.memory_space<hbm>> -> memref<1x21x768xf32, #tpu.memory_space<hbm>>
        %dma_start3A_131 = tpu.memref_squeeze %dma_start3A_130 : memref<1x21x768xf32, #tpu.memory_space<hbm>> -> memref<21x768xf32, #tpu.memory_space<hbm>>
        tpu.enqueue_dma source(%dma_start3A_131 : memref<21x768xf32, #tpu.memory_space<hbm>>) target(%arg7 : memref<21x768xf32, #tpu.memory_space<vmem>>) target_semaphore(%run_scoped3A_124 : memref<!tpu.dma_semaphore, #tpu.memory_space<semaphore_mem>>)
        %dma_wait3A = arith.constant 48 : i32
        %dma_wait3A_132 = arith.constant 0 : i32
        %dma_wait3A_133 = tpu.memref_slice %arg4[%run_scoped3A, %dma_wait3A, %dma_wait3A_132] : memref<5x69x768xf32, #tpu.memory_space<hbm>> -> memref<1x21x768xf32, #tpu.memory_space<hbm>>
        %dma_wait3A_134 = tpu.memref_squeeze %dma_wait3A_133 : memref<1x21x768xf32, #tpu.memory_space<hbm>> -> memref<21x768xf32, #tpu.memory_space<hbm>>
        %dma_wait3A_135 = arith.constant 48 : i32
        %dma_wait3A_136 = arith.constant 0 : i32
        %dma_wait3A_137 = tpu.memref_slice %arg4[%run_scoped3A, %dma_wait3A_135, %dma_wait3A_136] : memref<5x69x768xf32, #tpu.memory_space<hbm>> -> memref<1x21x768xf32, #tpu.memory_space<hbm>>
        %dma_wait3A_138 = tpu.memref_squeeze %dma_wait3A_137 : memref<1x21x768xf32, #tpu.memory_space<hbm>> -> memref<21x768xf32, #tpu.memory_space<hbm>>
        tpu.wait_dma2 semaphore(%run_scoped3A_124 : memref<!tpu.dma_semaphore, #tpu.memory_space<semaphore_mem>>) src(%dma_wait3A_138 : memref<21x768xf32, #tpu.memory_space<hbm>>) dst(%arg7 : memref<21x768xf32, #tpu.memory_space<vmem>>)
        tpu.yield
      }) : () -> ()
      %run_scoped3A_123 = arith.constant 2 : i32
      "tpu.region"() ({
        %run_scoped3A_124 = tpu.sem_alloc : memref<!tpu.dma_semaphore, #tpu.memory_space<semaphore_mem>>
        %dma_start3A = arith.constant 56 : i32
        %dma_start3A_125 = arith.constant 0 : i32
        %dma_start3A_126 = tpu.memref_slice %arg5[%run_scoped3A_123, %dma_start3A, %dma_start3A_125] : memref<5x77x768xf32, #tpu.memory_space<hbm>> -> memref<1x21x768xf32, #tpu.memory_space<hbm>>
        %dma_start3A_127 = tpu.memref_squeeze %dma_start3A_126 : memref<1x21x768xf32, #tpu.memory_space<hbm>> -> memref<21x768xf32, #tpu.memory_space<hbm>>
        %dma_start3A_128 = arith.constant 56 : i32
        %dma_start3A_129 = arith.constant 0 : i32
        %dma_start3A_130 = tpu.memref_slice %arg5[%run_scoped3A_123, %dma_start3A_128, %dma_start3A_129] : memref<5x77x768xf32, #tpu.memory_space<hbm>> -> memref<1x21x768xf32, #tpu.memory_space<hbm>>
        %dma_start3A_131 = tpu.memref_squeeze %dma_start3A_130 : memref<1x21x768xf32, #tpu.memory_space<hbm>> -> memref<21x768xf32, #tpu.memory_space<hbm>>
        tpu.enqueue_dma source(%arg7 : memref<21x768xf32, #tpu.memory_space<vmem>>) target(%dma_start3A_131 : memref<21x768xf32, #tpu.memory_space<hbm>>) target_semaphore(%run_scoped3A_124 : memref<!tpu.dma_semaphore, #tpu.memory_space<semaphore_mem>>)
        %dma_wait3A = arith.constant 56 : i32
        %dma_wait3A_132 = arith.constant 0 : i32
        %dma_wait3A_133 = tpu.memref_slice %arg5[%run_scoped3A_123, %dma_wait3A, %dma_wait3A_132] : memref<5x77x768xf32, #tpu.memory_space<hbm>> -> memref<1x21x768xf32, #tpu.memory_space<hbm>>
        %dma_wait3A_134 = tpu.memref_squeeze %dma_wait3A_133 : memref<1x21x768xf32, #tpu.memory_space<hbm>> -> memref<21x768xf32, #tpu.memory_space<hbm>>
        %dma_wait3A_135 = arith.constant 56 : i32
        %dma_wait3A_136 = arith.constant 0 : i32
        %dma_wait3A_137 = tpu.memref_slice %arg5[%run_scoped3A_123, %dma_wait3A_135, %dma_wait3A_136] : memref<5x77x768xf32, #tpu.memory_space<hbm>> -> memref<1x21x768xf32, #tpu.memory_space<hbm>>
        %dma_wait3A_138 = tpu.memref_squeeze %dma_wait3A_137 : memref<1x21x768xf32, #tpu.memory_space<hbm>> -> memref<21x768xf32, #tpu.memory_space<hbm>>
        tpu.wait_dma2 semaphore(%run_scoped3A_124 : memref<!tpu.dma_semaphore, #tpu.memory_space<semaphore_mem>>) src(%arg7 : memref<21x768xf32, #tpu.memory_space<vmem>>) dst(%dma_wait3A_138 : memref<21x768xf32, #tpu.memory_space<hbm>>)
        tpu.yield
      }) : () -> ()
    } else {
    }
    %eq3A_43 = arith.constant 9 : i32
    %eq3A_44 = arith.cmpi eq, %add3A, %eq3A_43 : i32
    %convert_element_type3A_45 = arith.extui %eq3A_44 : i1 to i32
    %cond3A_46 = arith.constant 0 : i32
    %cond3A_47 = arith.cmpi ne, %convert_element_type3A_45, %cond3A_46 : i32
    scf.if %cond3A_47 {
      %run_scoped3A = arith.constant 3 : i32
      "tpu.region"() ({
        %run_scoped3A_124 = tpu.sem_alloc : memref<!tpu.dma_semaphore, #tpu.memory_space<semaphore_mem>>
        %dma_start3A = arith.constant 0 : i32
        %dma_start3A_125 = arith.constant 0 : i32
        %dma_start3A_126 = tpu.memref_slice %arg4[%run_scoped3A, %dma_start3A, %dma_start3A_125] : memref<5x69x768xf32, #tpu.memory_space<hbm>> -> memref<1x24x768xf32, #tpu.memory_space<hbm>>
        %dma_start3A_127 = tpu.memref_squeeze %dma_start3A_126 : memref<1x24x768xf32, #tpu.memory_space<hbm>> -> memref<24x768xf32, #tpu.memory_space<hbm>>
        %dma_start3A_128 = arith.constant 0 : i32
        %dma_start3A_129 = arith.constant 0 : i32
        %dma_start3A_130 = tpu.memref_slice %arg4[%run_scoped3A, %dma_start3A_128, %dma_start3A_129] : memref<5x69x768xf32, #tpu.memory_space<hbm>> -> memref<1x24x768xf32, #tpu.memory_space<hbm>>
        %dma_start3A_131 = tpu.memref_squeeze %dma_start3A_130 : memref<1x24x768xf32, #tpu.memory_space<hbm>> -> memref<24x768xf32, #tpu.memory_space<hbm>>
        tpu.enqueue_dma source(%dma_start3A_131 : memref<24x768xf32, #tpu.memory_space<hbm>>) target(%arg6 : memref<24x768xf32, #tpu.memory_space<vmem>>) target_semaphore(%run_scoped3A_124 : memref<!tpu.dma_semaphore, #tpu.memory_space<semaphore_mem>>)
        %dma_wait3A = arith.constant 0 : i32
        %dma_wait3A_132 = arith.constant 0 : i32
        %dma_wait3A_133 = tpu.memref_slice %arg4[%run_scoped3A, %dma_wait3A, %dma_wait3A_132] : memref<5x69x768xf32, #tpu.memory_space<hbm>> -> memref<1x24x768xf32, #tpu.memory_space<hbm>>
        %dma_wait3A_134 = tpu.memref_squeeze %dma_wait3A_133 : memref<1x24x768xf32, #tpu.memory_space<hbm>> -> memref<24x768xf32, #tpu.memory_space<hbm>>
        %dma_wait3A_135 = arith.constant 0 : i32
        %dma_wait3A_136 = arith.constant 0 : i32
        %dma_wait3A_137 = tpu.memref_slice %arg4[%run_scoped3A, %dma_wait3A_135, %dma_wait3A_136] : memref<5x69x768xf32, #tpu.memory_space<hbm>> -> memref<1x24x768xf32, #tpu.memory_space<hbm>>
        %dma_wait3A_138 = tpu.memref_squeeze %dma_wait3A_137 : memref<1x24x768xf32, #tpu.memory_space<hbm>> -> memref<24x768xf32, #tpu.memory_space<hbm>>
        tpu.wait_dma2 semaphore(%run_scoped3A_124 : memref<!tpu.dma_semaphore, #tpu.memory_space<semaphore_mem>>) src(%dma_wait3A_138 : memref<24x768xf32, #tpu.memory_space<hbm>>) dst(%arg6 : memref<24x768xf32, #tpu.memory_space<vmem>>)
        tpu.yield
      }) : () -> ()
      %run_scoped3A_123 = arith.constant 3 : i32
      "tpu.region"() ({
        %run_scoped3A_124 = tpu.sem_alloc : memref<!tpu.dma_semaphore, #tpu.memory_space<semaphore_mem>>
        %dma_start3A = arith.constant 8 : i32
        %dma_start3A_125 = arith.constant 0 : i32
        %dma_start3A_126 = tpu.memref_slice %arg5[%run_scoped3A_123, %dma_start3A, %dma_start3A_125] : memref<5x77x768xf32, #tpu.memory_space<hbm>> -> memref<1x24x768xf32, #tpu.memory_space<hbm>>
        %dma_start3A_127 = tpu.memref_squeeze %dma_start3A_126 : memref<1x24x768xf32, #tpu.memory_space<hbm>> -> memref<24x768xf32, #tpu.memory_space<hbm>>
        %dma_start3A_128 = arith.constant 8 : i32
        %dma_start3A_129 = arith.constant 0 : i32
        %dma_start3A_130 = tpu.memref_slice %arg5[%run_scoped3A_123, %dma_start3A_128, %dma_start3A_129] : memref<5x77x768xf32, #tpu.memory_space<hbm>> -> memref<1x24x768xf32, #tpu.memory_space<hbm>>
        %dma_start3A_131 = tpu.memref_squeeze %dma_start3A_130 : memref<1x24x768xf32, #tpu.memory_space<hbm>> -> memref<24x768xf32, #tpu.memory_space<hbm>>
        tpu.enqueue_dma source(%arg6 : memref<24x768xf32, #tpu.memory_space<vmem>>) target(%dma_start3A_131 : memref<24x768xf32, #tpu.memory_space<hbm>>) target_semaphore(%run_scoped3A_124 : memref<!tpu.dma_semaphore, #tpu.memory_space<semaphore_mem>>)
        %dma_wait3A = arith.constant 8 : i32
        %dma_wait3A_132 = arith.constant 0 : i32
        %dma_wait3A_133 = tpu.memref_slice %arg5[%run_scoped3A_123, %dma_wait3A, %dma_wait3A_132] : memref<5x77x768xf32, #tpu.memory_space<hbm>> -> memref<1x24x768xf32, #tpu.memory_space<hbm>>
        %dma_wait3A_134 = tpu.memref_squeeze %dma_wait3A_133 : memref<1x24x768xf32, #tpu.memory_space<hbm>> -> memref<24x768xf32, #tpu.memory_space<hbm>>
        %dma_wait3A_135 = arith.constant 8 : i32
        %dma_wait3A_136 = arith.constant 0 : i32
        %dma_wait3A_137 = tpu.memref_slice %arg5[%run_scoped3A_123, %dma_wait3A_135, %dma_wait3A_136] : memref<5x77x768xf32, #tpu.memory_space<hbm>> -> memref<1x24x768xf32, #tpu.memory_space<hbm>>
        %dma_wait3A_138 = tpu.memref_squeeze %dma_wait3A_137 : memref<1x24x768xf32, #tpu.memory_space<hbm>> -> memref<24x768xf32, #tpu.memory_space<hbm>>
        tpu.wait_dma2 semaphore(%run_scoped3A_124 : memref<!tpu.dma_semaphore, #tpu.memory_space<semaphore_mem>>) src(%arg6 : memref<24x768xf32, #tpu.memory_space<vmem>>) dst(%dma_wait3A_138 : memref<24x768xf32, #tpu.memory_space<hbm>>)
        tpu.yield
      }) : () -> ()
    } else {
    }
    %eq3A_48 = arith.constant 10 : i32
    %eq3A_49 = arith.cmpi eq, %add3A, %eq3A_48 : i32
    %convert_element_type3A_50 = arith.extui %eq3A_49 : i1 to i32
    %cond3A_51 = arith.constant 0 : i32
    %cond3A_52 = arith.cmpi ne, %convert_element_type3A_50, %cond3A_51 : i32
    scf.if %cond3A_52 {
      %run_scoped3A = arith.constant 3 : i32
      "tpu.region"() ({
        %run_scoped3A_124 = tpu.sem_alloc : memref<!tpu.dma_semaphore, #tpu.memory_space<semaphore_mem>>
        %dma_start3A = arith.constant 24 : i32
        %dma_start3A_125 = arith.constant 0 : i32
        %dma_start3A_126 = tpu.memref_slice %arg4[%run_scoped3A, %dma_start3A, %dma_start3A_125] : memref<5x69x768xf32, #tpu.memory_space<hbm>> -> memref<1x24x768xf32, #tpu.memory_space<hbm>>
        %dma_start3A_127 = tpu.memref_squeeze %dma_start3A_126 : memref<1x24x768xf32, #tpu.memory_space<hbm>> -> memref<24x768xf32, #tpu.memory_space<hbm>>
        %dma_start3A_128 = arith.constant 24 : i32
        %dma_start3A_129 = arith.constant 0 : i32
        %dma_start3A_130 = tpu.memref_slice %arg4[%run_scoped3A, %dma_start3A_128, %dma_start3A_129] : memref<5x69x768xf32, #tpu.memory_space<hbm>> -> memref<1x24x768xf32, #tpu.memory_space<hbm>>
        %dma_start3A_131 = tpu.memref_squeeze %dma_start3A_130 : memref<1x24x768xf32, #tpu.memory_space<hbm>> -> memref<24x768xf32, #tpu.memory_space<hbm>>
        tpu.enqueue_dma source(%dma_start3A_131 : memref<24x768xf32, #tpu.memory_space<hbm>>) target(%arg6 : memref<24x768xf32, #tpu.memory_space<vmem>>) target_semaphore(%run_scoped3A_124 : memref<!tpu.dma_semaphore, #tpu.memory_space<semaphore_mem>>)
        %dma_wait3A = arith.constant 24 : i32
        %dma_wait3A_132 = arith.constant 0 : i32
        %dma_wait3A_133 = tpu.memref_slice %arg4[%run_scoped3A, %dma_wait3A, %dma_wait3A_132] : memref<5x69x768xf32, #tpu.memory_space<hbm>> -> memref<1x24x768xf32, #tpu.memory_space<hbm>>
        %dma_wait3A_134 = tpu.memref_squeeze %dma_wait3A_133 : memref<1x24x768xf32, #tpu.memory_space<hbm>> -> memref<24x768xf32, #tpu.memory_space<hbm>>
        %dma_wait3A_135 = arith.constant 24 : i32
        %dma_wait3A_136 = arith.constant 0 : i32
        %dma_wait3A_137 = tpu.memref_slice %arg4[%run_scoped3A, %dma_wait3A_135, %dma_wait3A_136] : memref<5x69x768xf32, #tpu.memory_space<hbm>> -> memref<1x24x768xf32, #tpu.memory_space<hbm>>
        %dma_wait3A_138 = tpu.memref_squeeze %dma_wait3A_137 : memref<1x24x768xf32, #tpu.memory_space<hbm>> -> memref<24x768xf32, #tpu.memory_space<hbm>>
        tpu.wait_dma2 semaphore(%run_scoped3A_124 : memref<!tpu.dma_semaphore, #tpu.memory_space<semaphore_mem>>) src(%dma_wait3A_138 : memref<24x768xf32, #tpu.memory_space<hbm>>) dst(%arg6 : memref<24x768xf32, #tpu.memory_space<vmem>>)
        tpu.yield
      }) : () -> ()
      %run_scoped3A_123 = arith.constant 3 : i32
      "tpu.region"() ({
        %run_scoped3A_124 = tpu.sem_alloc : memref<!tpu.dma_semaphore, #tpu.memory_space<semaphore_mem>>
        %dma_start3A = arith.constant 32 : i32
        %dma_start3A_125 = arith.constant 0 : i32
        %dma_start3A_126 = tpu.memref_slice %arg5[%run_scoped3A_123, %dma_start3A, %dma_start3A_125] : memref<5x77x768xf32, #tpu.memory_space<hbm>> -> memref<1x24x768xf32, #tpu.memory_space<hbm>>
        %dma_start3A_127 = tpu.memref_squeeze %dma_start3A_126 : memref<1x24x768xf32, #tpu.memory_space<hbm>> -> memref<24x768xf32, #tpu.memory_space<hbm>>
        %dma_start3A_128 = arith.constant 32 : i32
        %dma_start3A_129 = arith.constant 0 : i32
        %dma_start3A_130 = tpu.memref_slice %arg5[%run_scoped3A_123, %dma_start3A_128, %dma_start3A_129] : memref<5x77x768xf32, #tpu.memory_space<hbm>> -> memref<1x24x768xf32, #tpu.memory_space<hbm>>
        %dma_start3A_131 = tpu.memref_squeeze %dma_start3A_130 : memref<1x24x768xf32, #tpu.memory_space<hbm>> -> memref<24x768xf32, #tpu.memory_space<hbm>>
        tpu.enqueue_dma source(%arg6 : memref<24x768xf32, #tpu.memory_space<vmem>>) target(%dma_start3A_131 : memref<24x768xf32, #tpu.memory_space<hbm>>) target_semaphore(%run_scoped3A_124 : memref<!tpu.dma_semaphore, #tpu.memory_space<semaphore_mem>>)
        %dma_wait3A = arith.constant 32 : i32
        %dma_wait3A_132 = arith.constant 0 : i32
        %dma_wait3A_133 = tpu.memref_slice %arg5[%run_scoped3A_123, %dma_wait3A, %dma_wait3A_132] : memref<5x77x768xf32, #tpu.memory_space<hbm>> -> memref<1x24x768xf32, #tpu.memory_space<hbm>>
        %dma_wait3A_134 = tpu.memref_squeeze %dma_wait3A_133 : memref<1x24x768xf32, #tpu.memory_space<hbm>> -> memref<24x768xf32, #tpu.memory_space<hbm>>
        %dma_wait3A_135 = arith.constant 32 : i32
        %dma_wait3A_136 = arith.constant 0 : i32
        %dma_wait3A_137 = tpu.memref_slice %arg5[%run_scoped3A_123, %dma_wait3A_135, %dma_wait3A_136] : memref<5x77x768xf32, #tpu.memory_space<hbm>> -> memref<1x24x768xf32, #tpu.memory_space<hbm>>
        %dma_wait3A_138 = tpu.memref_squeeze %dma_wait3A_137 : memref<1x24x768xf32, #tpu.memory_space<hbm>> -> memref<24x768xf32, #tpu.memory_space<hbm>>
        tpu.wait_dma2 semaphore(%run_scoped3A_124 : memref<!tpu.dma_semaphore, #tpu.memory_space<semaphore_mem>>) src(%arg6 : memref<24x768xf32, #tpu.memory_space<vmem>>) dst(%dma_wait3A_138 : memref<24x768xf32, #tpu.memory_space<hbm>>)
        tpu.yield
      }) : () -> ()
    } else {
    }
    %eq3A_53 = arith.constant 11 : i32
    %eq3A_54 = arith.cmpi eq, %add3A, %eq3A_53 : i32
    %convert_element_type3A_55 = arith.extui %eq3A_54 : i1 to i32
    %cond3A_56 = arith.constant 0 : i32
    %cond3A_57 = arith.cmpi ne, %convert_element_type3A_55, %cond3A_56 : i32
    scf.if %cond3A_57 {
      %run_scoped3A = arith.constant 3 : i32
      "tpu.region"() ({
        %run_scoped3A_124 = tpu.sem_alloc : memref<!tpu.dma_semaphore, #tpu.memory_space<semaphore_mem>>
        %dma_start3A = arith.constant 48 : i32
        %dma_start3A_125 = arith.constant 0 : i32
        %dma_start3A_126 = tpu.memref_slice %arg4[%run_scoped3A, %dma_start3A, %dma_start3A_125] : memref<5x69x768xf32, #tpu.memory_space<hbm>> -> memref<1x21x768xf32, #tpu.memory_space<hbm>>
        %dma_start3A_127 = tpu.memref_squeeze %dma_start3A_126 : memref<1x21x768xf32, #tpu.memory_space<hbm>> -> memref<21x768xf32, #tpu.memory_space<hbm>>
        %dma_start3A_128 = arith.constant 48 : i32
        %dma_start3A_129 = arith.constant 0 : i32
        %dma_start3A_130 = tpu.memref_slice %arg4[%run_scoped3A, %dma_start3A_128, %dma_start3A_129] : memref<5x69x768xf32, #tpu.memory_space<hbm>> -> memref<1x21x768xf32, #tpu.memory_space<hbm>>
        %dma_start3A_131 = tpu.memref_squeeze %dma_start3A_130 : memref<1x21x768xf32, #tpu.memory_space<hbm>> -> memref<21x768xf32, #tpu.memory_space<hbm>>
        tpu.enqueue_dma source(%dma_start3A_131 : memref<21x768xf32, #tpu.memory_space<hbm>>) target(%arg7 : memref<21x768xf32, #tpu.memory_space<vmem>>) target_semaphore(%run_scoped3A_124 : memref<!tpu.dma_semaphore, #tpu.memory_space<semaphore_mem>>)
        %dma_wait3A = arith.constant 48 : i32
        %dma_wait3A_132 = arith.constant 0 : i32
        %dma_wait3A_133 = tpu.memref_slice %arg4[%run_scoped3A, %dma_wait3A, %dma_wait3A_132] : memref<5x69x768xf32, #tpu.memory_space<hbm>> -> memref<1x21x768xf32, #tpu.memory_space<hbm>>
        %dma_wait3A_134 = tpu.memref_squeeze %dma_wait3A_133 : memref<1x21x768xf32, #tpu.memory_space<hbm>> -> memref<21x768xf32, #tpu.memory_space<hbm>>
        %dma_wait3A_135 = arith.constant 48 : i32
        %dma_wait3A_136 = arith.constant 0 : i32
        %dma_wait3A_137 = tpu.memref_slice %arg4[%run_scoped3A, %dma_wait3A_135, %dma_wait3A_136] : memref<5x69x768xf32, #tpu.memory_space<hbm>> -> memref<1x21x768xf32, #tpu.memory_space<hbm>>
        %dma_wait3A_138 = tpu.memref_squeeze %dma_wait3A_137 : memref<1x21x768xf32, #tpu.memory_space<hbm>> -> memref<21x768xf32, #tpu.memory_space<hbm>>
        tpu.wait_dma2 semaphore(%run_scoped3A_124 : memref<!tpu.dma_semaphore, #tpu.memory_space<semaphore_mem>>) src(%dma_wait3A_138 : memref<21x768xf32, #tpu.memory_space<hbm>>) dst(%arg7 : memref<21x768xf32, #tpu.memory_space<vmem>>)
        tpu.yield
      }) : () -> ()
      %run_scoped3A_123 = arith.constant 3 : i32
      "tpu.region"() ({
        %run_scoped3A_124 = tpu.sem_alloc : memref<!tpu.dma_semaphore, #tpu.memory_space<semaphore_mem>>
        %dma_start3A = arith.constant 56 : i32
        %dma_start3A_125 = arith.constant 0 : i32
        %dma_start3A_126 = tpu.memref_slice %arg5[%run_scoped3A_123, %dma_start3A, %dma_start3A_125] : memref<5x77x768xf32, #tpu.memory_space<hbm>> -> memref<1x21x768xf32, #tpu.memory_space<hbm>>
        %dma_start3A_127 = tpu.memref_squeeze %dma_start3A_126 : memref<1x21x768xf32, #tpu.memory_space<hbm>> -> memref<21x768xf32, #tpu.memory_space<hbm>>
        %dma_start3A_128 = arith.constant 56 : i32
        %dma_start3A_129 = arith.constant 0 : i32
        %dma_start3A_130 = tpu.memref_slice %arg5[%run_scoped3A_123, %dma_start3A_128, %dma_start3A_129] : memref<5x77x768xf32, #tpu.memory_space<hbm>> -> memref<1x21x768xf32, #tpu.memory_space<hbm>>
        %dma_start3A_131 = tpu.memref_squeeze %dma_start3A_130 : memref<1x21x768xf32, #tpu.memory_space<hbm>> -> memref<21x768xf32, #tpu.memory_space<hbm>>
        tpu.enqueue_dma source(%arg7 : memref<21x768xf32, #tpu.memory_space<vmem>>) target(%dma_start3A_131 : memref<21x768xf32, #tpu.memory_space<hbm>>) target_semaphore(%run_scoped3A_124 : memref<!tpu.dma_semaphore, #tpu.memory_space<semaphore_mem>>)
        %dma_wait3A = arith.constant 56 : i32
        %dma_wait3A_132 = arith.constant 0 : i32
        %dma_wait3A_133 = tpu.memref_slice %arg5[%run_scoped3A_123, %dma_wait3A, %dma_wait3A_132] : memref<5x77x768xf32, #tpu.memory_space<hbm>> -> memref<1x21x768xf32, #tpu.memory_space<hbm>>
        %dma_wait3A_134 = tpu.memref_squeeze %dma_wait3A_133 : memref<1x21x768xf32, #tpu.memory_space<hbm>> -> memref<21x768xf32, #tpu.memory_space<hbm>>
        %dma_wait3A_135 = arith.constant 56 : i32
        %dma_wait3A_136 = arith.constant 0 : i32
        %dma_wait3A_137 = tpu.memref_slice %arg5[%run_scoped3A_123, %dma_wait3A_135, %dma_wait3A_136] : memref<5x77x768xf32, #tpu.memory_space<hbm>> -> memref<1x21x768xf32, #tpu.memory_space<hbm>>
        %dma_wait3A_138 = tpu.memref_squeeze %dma_wait3A_137 : memref<1x21x768xf32, #tpu.memory_space<hbm>> -> memref<21x768xf32, #tpu.memory_space<hbm>>
        tpu.wait_dma2 semaphore(%run_scoped3A_124 : memref<!tpu.dma_semaphore, #tpu.memory_space<semaphore_mem>>) src(%arg7 : memref<21x768xf32, #tpu.memory_space<vmem>>) dst(%dma_wait3A_138 : memref<21x768xf32, #tpu.memory_space<hbm>>)
        tpu.yield
      }) : () -> ()
    } else {
    }
    %eq3A_58 = arith.constant 12 : i32
    %eq3A_59 = arith.cmpi eq, %add3A, %eq3A_58 : i32
    %convert_element_type3A_60 = arith.extui %eq3A_59 : i1 to i32
    %cond3A_61 = arith.constant 0 : i32
    %cond3A_62 = arith.cmpi ne, %convert_element_type3A_60, %cond3A_61 : i32
    scf.if %cond3A_62 {
      %run_scoped3A = arith.constant 4 : i32
      "tpu.region"() ({
        %run_scoped3A_124 = tpu.sem_alloc : memref<!tpu.dma_semaphore, #tpu.memory_space<semaphore_mem>>
        %dma_start3A = arith.constant 0 : i32
        %dma_start3A_125 = arith.constant 0 : i32
        %dma_start3A_126 = tpu.memref_slice %arg4[%run_scoped3A, %dma_start3A, %dma_start3A_125] : memref<5x69x768xf32, #tpu.memory_space<hbm>> -> memref<1x24x768xf32, #tpu.memory_space<hbm>>
        %dma_start3A_127 = tpu.memref_squeeze %dma_start3A_126 : memref<1x24x768xf32, #tpu.memory_space<hbm>> -> memref<24x768xf32, #tpu.memory_space<hbm>>
        %dma_start3A_128 = arith.constant 0 : i32
        %dma_start3A_129 = arith.constant 0 : i32
        %dma_start3A_130 = tpu.memref_slice %arg4[%run_scoped3A, %dma_start3A_128, %dma_start3A_129] : memref<5x69x768xf32, #tpu.memory_space<hbm>> -> memref<1x24x768xf32, #tpu.memory_space<hbm>>
        %dma_start3A_131 = tpu.memref_squeeze %dma_start3A_130 : memref<1x24x768xf32, #tpu.memory_space<hbm>> -> memref<24x768xf32, #tpu.memory_space<hbm>>
        tpu.enqueue_dma source(%dma_start3A_131 : memref<24x768xf32, #tpu.memory_space<hbm>>) target(%arg6 : memref<24x768xf32, #tpu.memory_space<vmem>>) target_semaphore(%run_scoped3A_124 : memref<!tpu.dma_semaphore, #tpu.memory_space<semaphore_mem>>)
        %dma_wait3A = arith.constant 0 : i32
        %dma_wait3A_132 = arith.constant 0 : i32
        %dma_wait3A_133 = tpu.memref_slice %arg4[%run_scoped3A, %dma_wait3A, %dma_wait3A_132] : memref<5x69x768xf32, #tpu.memory_space<hbm>> -> memref<1x24x768xf32, #tpu.memory_space<hbm>>
        %dma_wait3A_134 = tpu.memref_squeeze %dma_wait3A_133 : memref<1x24x768xf32, #tpu.memory_space<hbm>> -> memref<24x768xf32, #tpu.memory_space<hbm>>
        %dma_wait3A_135 = arith.constant 0 : i32
        %dma_wait3A_136 = arith.constant 0 : i32
        %dma_wait3A_137 = tpu.memref_slice %arg4[%run_scoped3A, %dma_wait3A_135, %dma_wait3A_136] : memref<5x69x768xf32, #tpu.memory_space<hbm>> -> memref<1x24x768xf32, #tpu.memory_space<hbm>>
        %dma_wait3A_138 = tpu.memref_squeeze %dma_wait3A_137 : memref<1x24x768xf32, #tpu.memory_space<hbm>> -> memref<24x768xf32, #tpu.memory_space<hbm>>
        tpu.wait_dma2 semaphore(%run_scoped3A_124 : memref<!tpu.dma_semaphore, #tpu.memory_space<semaphore_mem>>) src(%dma_wait3A_138 : memref<24x768xf32, #tpu.memory_space<hbm>>) dst(%arg6 : memref<24x768xf32, #tpu.memory_space<vmem>>)
        tpu.yield
      }) : () -> ()
      %run_scoped3A_123 = arith.constant 4 : i32
      "tpu.region"() ({
        %run_scoped3A_124 = tpu.sem_alloc : memref<!tpu.dma_semaphore, #tpu.memory_space<semaphore_mem>>
        %dma_start3A = arith.constant 8 : i32
        %dma_start3A_125 = arith.constant 0 : i32
        %dma_start3A_126 = tpu.memref_slice %arg5[%run_scoped3A_123, %dma_start3A, %dma_start3A_125] : memref<5x77x768xf32, #tpu.memory_space<hbm>> -> memref<1x24x768xf32, #tpu.memory_space<hbm>>
        %dma_start3A_127 = tpu.memref_squeeze %dma_start3A_126 : memref<1x24x768xf32, #tpu.memory_space<hbm>> -> memref<24x768xf32, #tpu.memory_space<hbm>>
        %dma_start3A_128 = arith.constant 8 : i32
        %dma_start3A_129 = arith.constant 0 : i32
        %dma_start3A_130 = tpu.memref_slice %arg5[%run_scoped3A_123, %dma_start3A_128, %dma_start3A_129] : memref<5x77x768xf32, #tpu.memory_space<hbm>> -> memref<1x24x768xf32, #tpu.memory_space<hbm>>
        %dma_start3A_131 = tpu.memref_squeeze %dma_start3A_130 : memref<1x24x768xf32, #tpu.memory_space<hbm>> -> memref<24x768xf32, #tpu.memory_space<hbm>>
        tpu.enqueue_dma source(%arg6 : memref<24x768xf32, #tpu.memory_space<vmem>>) target(%dma_start3A_131 : memref<24x768xf32, #tpu.memory_space<hbm>>) target_semaphore(%run_scoped3A_124 : memref<!tpu.dma_semaphore, #tpu.memory_space<semaphore_mem>>)
        %dma_wait3A = arith.constant 8 : i32
        %dma_wait3A_132 = arith.constant 0 : i32
        %dma_wait3A_133 = tpu.memref_slice %arg5[%run_scoped3A_123, %dma_wait3A, %dma_wait3A_132] : memref<5x77x768xf32, #tpu.memory_space<hbm>> -> memref<1x24x768xf32, #tpu.memory_space<hbm>>
        %dma_wait3A_134 = tpu.memref_squeeze %dma_wait3A_133 : memref<1x24x768xf32, #tpu.memory_space<hbm>> -> memref<24x768xf32, #tpu.memory_space<hbm>>
        %dma_wait3A_135 = arith.constant 8 : i32
        %dma_wait3A_136 = arith.constant 0 : i32
        %dma_wait3A_137 = tpu.memref_slice %arg5[%run_scoped3A_123, %dma_wait3A_135, %dma_wait3A_136] : memref<5x77x768xf32, #tpu.memory_space<hbm>> -> memref<1x24x768xf32, #tpu.memory_space<hbm>>
        %dma_wait3A_138 = tpu.memref_squeeze %dma_wait3A_137 : memref<1x24x768xf32, #tpu.memory_space<hbm>> -> memref<24x768xf32, #tpu.memory_space<hbm>>
        tpu.wait_dma2 semaphore(%run_scoped3A_124 : memref<!tpu.dma_semaphore, #tpu.memory_space<semaphore_mem>>) src(%arg6 : memref<24x768xf32, #tpu.memory_space<vmem>>) dst(%dma_wait3A_138 : memref<24x768xf32, #tpu.memory_space<hbm>>)
        tpu.yield
      }) : () -> ()
    } else {
    }
    %eq3A_63 = arith.constant 13 : i32
    %eq3A_64 = arith.cmpi eq, %add3A, %eq3A_63 : i32
    %convert_element_type3A_65 = arith.extui %eq3A_64 : i1 to i32
    %cond3A_66 = arith.constant 0 : i32
    %cond3A_67 = arith.cmpi ne, %convert_element_type3A_65, %cond3A_66 : i32
    scf.if %cond3A_67 {
      %run_scoped3A = arith.constant 4 : i32
      "tpu.region"() ({
        %run_scoped3A_124 = tpu.sem_alloc : memref<!tpu.dma_semaphore, #tpu.memory_space<semaphore_mem>>
        %dma_start3A = arith.constant 24 : i32
        %dma_start3A_125 = arith.constant 0 : i32
        %dma_start3A_126 = tpu.memref_slice %arg4[%run_scoped3A, %dma_start3A, %dma_start3A_125] : memref<5x69x768xf32, #tpu.memory_space<hbm>> -> memref<1x24x768xf32, #tpu.memory_space<hbm>>
        %dma_start3A_127 = tpu.memref_squeeze %dma_start3A_126 : memref<1x24x768xf32, #tpu.memory_space<hbm>> -> memref<24x768xf32, #tpu.memory_space<hbm>>
        %dma_start3A_128 = arith.constant 24 : i32
        %dma_start3A_129 = arith.constant 0 : i32
        %dma_start3A_130 = tpu.memref_slice %arg4[%run_scoped3A, %dma_start3A_128, %dma_start3A_129] : memref<5x69x768xf32, #tpu.memory_space<hbm>> -> memref<1x24x768xf32, #tpu.memory_space<hbm>>
        %dma_start3A_131 = tpu.memref_squeeze %dma_start3A_130 : memref<1x24x768xf32, #tpu.memory_space<hbm>> -> memref<24x768xf32, #tpu.memory_space<hbm>>
        tpu.enqueue_dma source(%dma_start3A_131 : memref<24x768xf32, #tpu.memory_space<hbm>>) target(%arg6 : memref<24x768xf32, #tpu.memory_space<vmem>>) target_semaphore(%run_scoped3A_124 : memref<!tpu.dma_semaphore, #tpu.memory_space<semaphore_mem>>)
        %dma_wait3A = arith.constant 24 : i32
        %dma_wait3A_132 = arith.constant 0 : i32
        %dma_wait3A_133 = tpu.memref_slice %arg4[%run_scoped3A, %dma_wait3A, %dma_wait3A_132] : memref<5x69x768xf32, #tpu.memory_space<hbm>> -> memref<1x24x768xf32, #tpu.memory_space<hbm>>
        %dma_wait3A_134 = tpu.memref_squeeze %dma_wait3A_133 : memref<1x24x768xf32, #tpu.memory_space<hbm>> -> memref<24x768xf32, #tpu.memory_space<hbm>>
        %dma_wait3A_135 = arith.constant 24 : i32
        %dma_wait3A_136 = arith.constant 0 : i32
        %dma_wait3A_137 = tpu.memref_slice %arg4[%run_scoped3A, %dma_wait3A_135, %dma_wait3A_136] : memref<5x69x768xf32, #tpu.memory_space<hbm>> -> memref<1x24x768xf32, #tpu.memory_space<hbm>>
        %dma_wait3A_138 = tpu.memref_squeeze %dma_wait3A_137 : memref<1x24x768xf32, #tpu.memory_space<hbm>> -> memref<24x768xf32, #tpu.memory_space<hbm>>
        tpu.wait_dma2 semaphore(%run_scoped3A_124 : memref<!tpu.dma_semaphore, #tpu.memory_space<semaphore_mem>>) src(%dma_wait3A_138 : memref<24x768xf32, #tpu.memory_space<hbm>>) dst(%arg6 : memref<24x768xf32, #tpu.memory_space<vmem>>)
        tpu.yield
      }) : () -> ()
      %run_scoped3A_123 = arith.constant 4 : i32
      "tpu.region"() ({
        %run_scoped3A_124 = tpu.sem_alloc : memref<!tpu.dma_semaphore, #tpu.memory_space<semaphore_mem>>
        %dma_start3A = arith.constant 32 : i32
        %dma_start3A_125 = arith.constant 0 : i32
        %dma_start3A_126 = tpu.memref_slice %arg5[%run_scoped3A_123, %dma_start3A, %dma_start3A_125] : memref<5x77x768xf32, #tpu.memory_space<hbm>> -> memref<1x24x768xf32, #tpu.memory_space<hbm>>
        %dma_start3A_127 = tpu.memref_squeeze %dma_start3A_126 : memref<1x24x768xf32, #tpu.memory_space<hbm>> -> memref<24x768xf32, #tpu.memory_space<hbm>>
        %dma_start3A_128 = arith.constant 32 : i32
        %dma_start3A_129 = arith.constant 0 : i32
        %dma_start3A_130 = tpu.memref_slice %arg5[%run_scoped3A_123, %dma_start3A_128, %dma_start3A_129] : memref<5x77x768xf32, #tpu.memory_space<hbm>> -> memref<1x24x768xf32, #tpu.memory_space<hbm>>
        %dma_start3A_131 = tpu.memref_squeeze %dma_start3A_130 : memref<1x24x768xf32, #tpu.memory_space<hbm>> -> memref<24x768xf32, #tpu.memory_space<hbm>>
        tpu.enqueue_dma source(%arg6 : memref<24x768xf32, #tpu.memory_space<vmem>>) target(%dma_start3A_131 : memref<24x768xf32, #tpu.memory_space<hbm>>) target_semaphore(%run_scoped3A_124 : memref<!tpu.dma_semaphore, #tpu.memory_space<semaphore_mem>>)
        %dma_wait3A = arith.constant 32 : i32
        %dma_wait3A_132 = arith.constant 0 : i32
        %dma_wait3A_133 = tpu.memref_slice %arg5[%run_scoped3A_123, %dma_wait3A, %dma_wait3A_132] : memref<5x77x768xf32, #tpu.memory_space<hbm>> -> memref<1x24x768xf32, #tpu.memory_space<hbm>>
        %dma_wait3A_134 = tpu.memref_squeeze %dma_wait3A_133 : memref<1x24x768xf32, #tpu.memory_space<hbm>> -> memref<24x768xf32, #tpu.memory_space<hbm>>
        %dma_wait3A_135 = arith.constant 32 : i32
        %dma_wait3A_136 = arith.constant 0 : i32
        %dma_wait3A_137 = tpu.memref_slice %arg5[%run_scoped3A_123, %dma_wait3A_135, %dma_wait3A_136] : memref<5x77x768xf32, #tpu.memory_space<hbm>> -> memref<1x24x768xf32, #tpu.memory_space<hbm>>
        %dma_wait3A_138 = tpu.memref_squeeze %dma_wait3A_137 : memref<1x24x768xf32, #tpu.memory_space<hbm>> -> memref<24x768xf32, #tpu.memory_space<hbm>>
        tpu.wait_dma2 semaphore(%run_scoped3A_124 : memref<!tpu.dma_semaphore, #tpu.memory_space<semaphore_mem>>) src(%arg6 : memref<24x768xf32, #tpu.memory_space<vmem>>) dst(%dma_wait3A_138 : memref<24x768xf32, #tpu.memory_space<hbm>>)
        tpu.yield
      }) : () -> ()
    } else {
    }
    %eq3A_68 = arith.constant 14 : i32
    %eq3A_69 = arith.cmpi eq, %add3A, %eq3A_68 : i32
    %convert_element_type3A_70 = arith.extui %eq3A_69 : i1 to i32
    %cond3A_71 = arith.constant 0 : i32
    %cond3A_72 = arith.cmpi ne, %convert_element_type3A_70, %cond3A_71 : i32
    scf.if %cond3A_72 {
      %run_scoped3A = arith.constant 4 : i32
      "tpu.region"() ({
        %run_scoped3A_124 = tpu.sem_alloc : memref<!tpu.dma_semaphore, #tpu.memory_space<semaphore_mem>>
        %dma_start3A = arith.constant 48 : i32
        %dma_start3A_125 = arith.constant 0 : i32
        %dma_start3A_126 = tpu.memref_slice %arg4[%run_scoped3A, %dma_start3A, %dma_start3A_125] : memref<5x69x768xf32, #tpu.memory_space<hbm>> -> memref<1x21x768xf32, #tpu.memory_space<hbm>>
        %dma_start3A_127 = tpu.memref_squeeze %dma_start3A_126 : memref<1x21x768xf32, #tpu.memory_space<hbm>> -> memref<21x768xf32, #tpu.memory_space<hbm>>
        %dma_start3A_128 = arith.constant 48 : i32
        %dma_start3A_129 = arith.constant 0 : i32
        %dma_start3A_130 = tpu.memref_slice %arg4[%run_scoped3A, %dma_start3A_128, %dma_start3A_129] : memref<5x69x768xf32, #tpu.memory_space<hbm>> -> memref<1x21x768xf32, #tpu.memory_space<hbm>>
        %dma_start3A_131 = tpu.memref_squeeze %dma_start3A_130 : memref<1x21x768xf32, #tpu.memory_space<hbm>> -> memref<21x768xf32, #tpu.memory_space<hbm>>
        tpu.enqueue_dma source(%dma_start3A_131 : memref<21x768xf32, #tpu.memory_space<hbm>>) target(%arg7 : memref<21x768xf32, #tpu.memory_space<vmem>>) target_semaphore(%run_scoped3A_124 : memref<!tpu.dma_semaphore, #tpu.memory_space<semaphore_mem>>)
        %dma_wait3A = arith.constant 48 : i32
        %dma_wait3A_132 = arith.constant 0 : i32
        %dma_wait3A_133 = tpu.memref_slice %arg4[%run_scoped3A, %dma_wait3A, %dma_wait3A_132] : memref<5x69x768xf32, #tpu.memory_space<hbm>> -> memref<1x21x768xf32, #tpu.memory_space<hbm>>
        %dma_wait3A_134 = tpu.memref_squeeze %dma_wait3A_133 : memref<1x21x768xf32, #tpu.memory_space<hbm>> -> memref<21x768xf32, #tpu.memory_space<hbm>>
        %dma_wait3A_135 = arith.constant 48 : i32
        %dma_wait3A_136 = arith.constant 0 : i32
        %dma_wait3A_137 = tpu.memref_slice %arg4[%run_scoped3A, %dma_wait3A_135, %dma_wait3A_136] : memref<5x69x768xf32, #tpu.memory_space<hbm>> -> memref<1x21x768xf32, #tpu.memory_space<hbm>>
        %dma_wait3A_138 = tpu.memref_squeeze %dma_wait3A_137 : memref<1x21x768xf32, #tpu.memory_space<hbm>> -> memref<21x768xf32, #tpu.memory_space<hbm>>
        tpu.wait_dma2 semaphore(%run_scoped3A_124 : memref<!tpu.dma_semaphore, #tpu.memory_space<semaphore_mem>>) src(%dma_wait3A_138 : memref<21x768xf32, #tpu.memory_space<hbm>>) dst(%arg7 : memref<21x768xf32, #tpu.memory_space<vmem>>)
        tpu.yield
      }) : () -> ()
      %run_scoped3A_123 = arith.constant 4 : i32
      "tpu.region"() ({
        %run_scoped3A_124 = tpu.sem_alloc : memref<!tpu.dma_semaphore, #tpu.memory_space<semaphore_mem>>
        %dma_start3A = arith.constant 56 : i32
        %dma_start3A_125 = arith.constant 0 : i32
        %dma_start3A_126 = tpu.memref_slice %arg5[%run_scoped3A_123, %dma_start3A, %dma_start3A_125] : memref<5x77x768xf32, #tpu.memory_space<hbm>> -> memref<1x21x768xf32, #tpu.memory_space<hbm>>
        %dma_start3A_127 = tpu.memref_squeeze %dma_start3A_126 : memref<1x21x768xf32, #tpu.memory_space<hbm>> -> memref<21x768xf32, #tpu.memory_space<hbm>>
        %dma_start3A_128 = arith.constant 56 : i32
        %dma_start3A_129 = arith.constant 0 : i32
        %dma_start3A_130 = tpu.memref_slice %arg5[%run_scoped3A_123, %dma_start3A_128, %dma_start3A_129] : memref<5x77x768xf32, #tpu.memory_space<hbm>> -> memref<1x21x768xf32, #tpu.memory_space<hbm>>
        %dma_start3A_131 = tpu.memref_squeeze %dma_start3A_130 : memref<1x21x768xf32, #tpu.memory_space<hbm>> -> memref<21x768xf32, #tpu.memory_space<hbm>>
        tpu.enqueue_dma source(%arg7 : memref<21x768xf32, #tpu.memory_space<vmem>>) target(%dma_start3A_131 : memref<21x768xf32, #tpu.memory_space<hbm>>) target_semaphore(%run_scoped3A_124 : memref<!tpu.dma_semaphore, #tpu.memory_space<semaphore_mem>>)
        %dma_wait3A = arith.constant 56 : i32
        %dma_wait3A_132 = arith.constant 0 : i32
        %dma_wait3A_133 = tpu.memref_slice %arg5[%run_scoped3A_123, %dma_wait3A, %dma_wait3A_132] : memref<5x77x768xf32, #tpu.memory_space<hbm>> -> memref<1x21x768xf32, #tpu.memory_space<hbm>>
        %dma_wait3A_134 = tpu.memref_squeeze %dma_wait3A_133 : memref<1x21x768xf32, #tpu.memory_space<hbm>> -> memref<21x768xf32, #tpu.memory_space<hbm>>
        %dma_wait3A_135 = arith.constant 56 : i32
        %dma_wait3A_136 = arith.constant 0 : i32
        %dma_wait3A_137 = tpu.memref_slice %arg5[%run_scoped3A_123, %dma_wait3A_135, %dma_wait3A_136] : memref<5x77x768xf32, #tpu.memory_space<hbm>> -> memref<1x21x768xf32, #tpu.memory_space<hbm>>
        %dma_wait3A_138 = tpu.memref_squeeze %dma_wait3A_137 : memref<1x21x768xf32, #tpu.memory_space<hbm>> -> memref<21x768xf32, #tpu.memory_space<hbm>>
        tpu.wait_dma2 semaphore(%run_scoped3A_124 : memref<!tpu.dma_semaphore, #tpu.memory_space<semaphore_mem>>) src(%arg7 : memref<21x768xf32, #tpu.memory_space<vmem>>) dst(%dma_wait3A_138 : memref<21x768xf32, #tpu.memory_space<hbm>>)
        tpu.yield
      }) : () -> ()
    } else {
    }
    %eq3A_73 = arith.constant 15 : i32
    %eq3A_74 = arith.cmpi eq, %add3A, %eq3A_73 : i32
    %convert_element_type3A_75 = arith.extui %eq3A_74 : i1 to i32
    %cond3A_76 = arith.constant 0 : i32
    %cond3A_77 = arith.cmpi ne, %convert_element_type3A_75, %cond3A_76 : i32
    scf.if %cond3A_77 {
      %run_scoped3A = arith.constant 0 : i32
      "tpu.region"() ({
        %run_scoped3A_124 = tpu.sem_alloc : memref<!tpu.dma_semaphore, #tpu.memory_space<semaphore_mem>>
        %dma_start3A = arith.constant 0 : i32
        %dma_start3A_125 = arith.constant 0 : i32
        %dma_start3A_126 = tpu.memref_slice %arg2[%run_scoped3A, %dma_start3A, %dma_start3A_125] : memref<5x7x768xf32, #tpu.memory_space<hbm>> -> memref<1x7x768xf32, #tpu.memory_space<hbm>>
        %dma_start3A_127 = tpu.memref_squeeze %dma_start3A_126 : memref<1x7x768xf32, #tpu.memory_space<hbm>> -> memref<7x768xf32, #tpu.memory_space<hbm>>
        %dma_start3A_128 = arith.constant 0 : i32
        %dma_start3A_129 = arith.constant 0 : i32
        %dma_start3A_130 = tpu.memref_slice %arg2[%run_scoped3A, %dma_start3A_128, %dma_start3A_129] : memref<5x7x768xf32, #tpu.memory_space<hbm>> -> memref<1x7x768xf32, #tpu.memory_space<hbm>>
        %dma_start3A_131 = tpu.memref_squeeze %dma_start3A_130 : memref<1x7x768xf32, #tpu.memory_space<hbm>> -> memref<7x768xf32, #tpu.memory_space<hbm>>
        tpu.enqueue_dma source(%dma_start3A_131 : memref<7x768xf32, #tpu.memory_space<hbm>>) target(%arg8 : memref<7x768xf32, #tpu.memory_space<vmem>>) target_semaphore(%run_scoped3A_124 : memref<!tpu.dma_semaphore, #tpu.memory_space<semaphore_mem>>)
        %dma_wait3A = arith.constant 0 : i32
        %dma_wait3A_132 = arith.constant 0 : i32
        %dma_wait3A_133 = tpu.memref_slice %arg2[%run_scoped3A, %dma_wait3A, %dma_wait3A_132] : memref<5x7x768xf32, #tpu.memory_space<hbm>> -> memref<1x7x768xf32, #tpu.memory_space<hbm>>
        %dma_wait3A_134 = tpu.memref_squeeze %dma_wait3A_133 : memref<1x7x768xf32, #tpu.memory_space<hbm>> -> memref<7x768xf32, #tpu.memory_space<hbm>>
        %dma_wait3A_135 = arith.constant 0 : i32
        %dma_wait3A_136 = arith.constant 0 : i32
        %dma_wait3A_137 = tpu.memref_slice %arg2[%run_scoped3A, %dma_wait3A_135, %dma_wait3A_136] : memref<5x7x768xf32, #tpu.memory_space<hbm>> -> memref<1x7x768xf32, #tpu.memory_space<hbm>>
        %dma_wait3A_138 = tpu.memref_squeeze %dma_wait3A_137 : memref<1x7x768xf32, #tpu.memory_space<hbm>> -> memref<7x768xf32, #tpu.memory_space<hbm>>
        tpu.wait_dma2 semaphore(%run_scoped3A_124 : memref<!tpu.dma_semaphore, #tpu.memory_space<semaphore_mem>>) src(%dma_wait3A_138 : memref<7x768xf32, #tpu.memory_space<hbm>>) dst(%arg8 : memref<7x768xf32, #tpu.memory_space<vmem>>)
        tpu.yield
      }) : () -> ()
      %run_scoped3A_123 = arith.constant 0 : i32
      "tpu.region"() ({
        %run_scoped3A_124 = tpu.sem_alloc : memref<!tpu.dma_semaphore, #tpu.memory_space<semaphore_mem>>
        %dma_start3A = arith.constant 0 : i32
        %dma_start3A_125 = arith.constant 0 : i32
        %dma_start3A_126 = tpu.memref_slice %arg5[%run_scoped3A_123, %dma_start3A, %dma_start3A_125] : memref<5x77x768xf32, #tpu.memory_space<hbm>> -> memref<1x7x768xf32, #tpu.memory_space<hbm>>
        %dma_start3A_127 = tpu.memref_squeeze %dma_start3A_126 : memref<1x7x768xf32, #tpu.memory_space<hbm>> -> memref<7x768xf32, #tpu.memory_space<hbm>>
        %dma_start3A_128 = arith.constant 0 : i32
        %dma_start3A_129 = arith.constant 0 : i32
        %dma_start3A_130 = tpu.memref_slice %arg5[%run_scoped3A_123, %dma_start3A_128, %dma_start3A_129] : memref<5x77x768xf32, #tpu.memory_space<hbm>> -> memref<1x7x768xf32, #tpu.memory_space<hbm>>
        %dma_start3A_131 = tpu.memref_squeeze %dma_start3A_130 : memref<1x7x768xf32, #tpu.memory_space<hbm>> -> memref<7x768xf32, #tpu.memory_space<hbm>>
        tpu.enqueue_dma source(%arg8 : memref<7x768xf32, #tpu.memory_space<vmem>>) target(%dma_start3A_131 : memref<7x768xf32, #tpu.memory_space<hbm>>) target_semaphore(%run_scoped3A_124 : memref<!tpu.dma_semaphore, #tpu.memory_space<semaphore_mem>>)
        %dma_wait3A = arith.constant 0 : i32
        %dma_wait3A_132 = arith.constant 0 : i32
        %dma_wait3A_133 = tpu.memref_slice %arg5[%run_scoped3A_123, %dma_wait3A, %dma_wait3A_132] : memref<5x77x768xf32, #tpu.memory_space<hbm>> -> memref<1x7x768xf32, #tpu.memory_space<hbm>>
        %dma_wait3A_134 = tpu.memref_squeeze %dma_wait3A_133 : memref<1x7x768xf32, #tpu.memory_space<hbm>> -> memref<7x768xf32, #tpu.memory_space<hbm>>
        %dma_wait3A_135 = arith.constant 0 : i32
        %dma_wait3A_136 = arith.constant 0 : i32
        %dma_wait3A_137 = tpu.memref_slice %arg5[%run_scoped3A_123, %dma_wait3A_135, %dma_wait3A_136] : memref<5x77x768xf32, #tpu.memory_space<hbm>> -> memref<1x7x768xf32, #tpu.memory_space<hbm>>
        %dma_wait3A_138 = tpu.memref_squeeze %dma_wait3A_137 : memref<1x7x768xf32, #tpu.memory_space<hbm>> -> memref<7x768xf32, #tpu.memory_space<hbm>>
        tpu.wait_dma2 semaphore(%run_scoped3A_124 : memref<!tpu.dma_semaphore, #tpu.memory_space<semaphore_mem>>) src(%arg8 : memref<7x768xf32, #tpu.memory_space<vmem>>) dst(%dma_wait3A_138 : memref<7x768xf32, #tpu.memory_space<hbm>>)
        tpu.yield
      }) : () -> ()
    } else {
    }
    %eq3A_78 = arith.constant 16 : i32
    %eq3A_79 = arith.cmpi eq, %add3A, %eq3A_78 : i32
    %convert_element_type3A_80 = arith.extui %eq3A_79 : i1 to i32
    %cond3A_81 = arith.constant 0 : i32
    %cond3A_82 = arith.cmpi ne, %convert_element_type3A_80, %cond3A_81 : i32
    scf.if %cond3A_82 {
      %run_scoped3A = arith.constant 1 : i32
      "tpu.region"() ({
        %run_scoped3A_124 = tpu.sem_alloc : memref<!tpu.dma_semaphore, #tpu.memory_space<semaphore_mem>>
        %dma_start3A = arith.constant 0 : i32
        %dma_start3A_125 = arith.constant 0 : i32
        %dma_start3A_126 = tpu.memref_slice %arg2[%run_scoped3A, %dma_start3A, %dma_start3A_125] : memref<5x7x768xf32, #tpu.memory_space<hbm>> -> memref<1x7x768xf32, #tpu.memory_space<hbm>>
        %dma_start3A_127 = tpu.memref_squeeze %dma_start3A_126 : memref<1x7x768xf32, #tpu.memory_space<hbm>> -> memref<7x768xf32, #tpu.memory_space<hbm>>
        %dma_start3A_128 = arith.constant 0 : i32
        %dma_start3A_129 = arith.constant 0 : i32
        %dma_start3A_130 = tpu.memref_slice %arg2[%run_scoped3A, %dma_start3A_128, %dma_start3A_129] : memref<5x7x768xf32, #tpu.memory_space<hbm>> -> memref<1x7x768xf32, #tpu.memory_space<hbm>>
        %dma_start3A_131 = tpu.memref_squeeze %dma_start3A_130 : memref<1x7x768xf32, #tpu.memory_space<hbm>> -> memref<7x768xf32, #tpu.memory_space<hbm>>
        tpu.enqueue_dma source(%dma_start3A_131 : memref<7x768xf32, #tpu.memory_space<hbm>>) target(%arg8 : memref<7x768xf32, #tpu.memory_space<vmem>>) target_semaphore(%run_scoped3A_124 : memref<!tpu.dma_semaphore, #tpu.memory_space<semaphore_mem>>)
        %dma_wait3A = arith.constant 0 : i32
        %dma_wait3A_132 = arith.constant 0 : i32
        %dma_wait3A_133 = tpu.memref_slice %arg2[%run_scoped3A, %dma_wait3A, %dma_wait3A_132] : memref<5x7x768xf32, #tpu.memory_space<hbm>> -> memref<1x7x768xf32, #tpu.memory_space<hbm>>
        %dma_wait3A_134 = tpu.memref_squeeze %dma_wait3A_133 : memref<1x7x768xf32, #tpu.memory_space<hbm>> -> memref<7x768xf32, #tpu.memory_space<hbm>>
        %dma_wait3A_135 = arith.constant 0 : i32
        %dma_wait3A_136 = arith.constant 0 : i32
        %dma_wait3A_137 = tpu.memref_slice %arg2[%run_scoped3A, %dma_wait3A_135, %dma_wait3A_136] : memref<5x7x768xf32, #tpu.memory_space<hbm>> -> memref<1x7x768xf32, #tpu.memory_space<hbm>>
        %dma_wait3A_138 = tpu.memref_squeeze %dma_wait3A_137 : memref<1x7x768xf32, #tpu.memory_space<hbm>> -> memref<7x768xf32, #tpu.memory_space<hbm>>
        tpu.wait_dma2 semaphore(%run_scoped3A_124 : memref<!tpu.dma_semaphore, #tpu.memory_space<semaphore_mem>>) src(%dma_wait3A_138 : memref<7x768xf32, #tpu.memory_space<hbm>>) dst(%arg8 : memref<7x768xf32, #tpu.memory_space<vmem>>)
        tpu.yield
      }) : () -> ()
      %run_scoped3A_123 = arith.constant 1 : i32
      "tpu.region"() ({
        %run_scoped3A_124 = tpu.sem_alloc : memref<!tpu.dma_semaphore, #tpu.memory_space<semaphore_mem>>
        %dma_start3A = arith.constant 0 : i32
        %dma_start3A_125 = arith.constant 0 : i32
        %dma_start3A_126 = tpu.memref_slice %arg5[%run_scoped3A_123, %dma_start3A, %dma_start3A_125] : memref<5x77x768xf32, #tpu.memory_space<hbm>> -> memref<1x7x768xf32, #tpu.memory_space<hbm>>
        %dma_start3A_127 = tpu.memref_squeeze %dma_start3A_126 : memref<1x7x768xf32, #tpu.memory_space<hbm>> -> memref<7x768xf32, #tpu.memory_space<hbm>>
        %dma_start3A_128 = arith.constant 0 : i32
        %dma_start3A_129 = arith.constant 0 : i32
        %dma_start3A_130 = tpu.memref_slice %arg5[%run_scoped3A_123, %dma_start3A_128, %dma_start3A_129] : memref<5x77x768xf32, #tpu.memory_space<hbm>> -> memref<1x7x768xf32, #tpu.memory_space<hbm>>
        %dma_start3A_131 = tpu.memref_squeeze %dma_start3A_130 : memref<1x7x768xf32, #tpu.memory_space<hbm>> -> memref<7x768xf32, #tpu.memory_space<hbm>>
        tpu.enqueue_dma source(%arg8 : memref<7x768xf32, #tpu.memory_space<vmem>>) target(%dma_start3A_131 : memref<7x768xf32, #tpu.memory_space<hbm>>) target_semaphore(%run_scoped3A_124 : memref<!tpu.dma_semaphore, #tpu.memory_space<semaphore_mem>>)
        %dma_wait3A = arith.constant 0 : i32
        %dma_wait3A_132 = arith.constant 0 : i32
        %dma_wait3A_133 = tpu.memref_slice %arg5[%run_scoped3A_123, %dma_wait3A, %dma_wait3A_132] : memref<5x77x768xf32, #tpu.memory_space<hbm>> -> memref<1x7x768xf32, #tpu.memory_space<hbm>>
        %dma_wait3A_134 = tpu.memref_squeeze %dma_wait3A_133 : memref<1x7x768xf32, #tpu.memory_space<hbm>> -> memref<7x768xf32, #tpu.memory_space<hbm>>
        %dma_wait3A_135 = arith.constant 0 : i32
        %dma_wait3A_136 = arith.constant 0 : i32
        %dma_wait3A_137 = tpu.memref_slice %arg5[%run_scoped3A_123, %dma_wait3A_135, %dma_wait3A_136] : memref<5x77x768xf32, #tpu.memory_space<hbm>> -> memref<1x7x768xf32, #tpu.memory_space<hbm>>
        %dma_wait3A_138 = tpu.memref_squeeze %dma_wait3A_137 : memref<1x7x768xf32, #tpu.memory_space<hbm>> -> memref<7x768xf32, #tpu.memory_space<hbm>>
        tpu.wait_dma2 semaphore(%run_scoped3A_124 : memref<!tpu.dma_semaphore, #tpu.memory_space<semaphore_mem>>) src(%arg8 : memref<7x768xf32, #tpu.memory_space<vmem>>) dst(%dma_wait3A_138 : memref<7x768xf32, #tpu.memory_space<hbm>>)
        tpu.yield
      }) : () -> ()
    } else {
    }
    %eq3A_83 = arith.constant 17 : i32
    %eq3A_84 = arith.cmpi eq, %add3A, %eq3A_83 : i32
    %convert_element_type3A_85 = arith.extui %eq3A_84 : i1 to i32
    %cond3A_86 = arith.constant 0 : i32
    %cond3A_87 = arith.cmpi ne, %convert_element_type3A_85, %cond3A_86 : i32
    scf.if %cond3A_87 {
      %run_scoped3A = arith.constant 2 : i32
      "tpu.region"() ({
        %run_scoped3A_124 = tpu.sem_alloc : memref<!tpu.dma_semaphore, #tpu.memory_space<semaphore_mem>>
        %dma_start3A = arith.constant 0 : i32
        %dma_start3A_125 = arith.constant 0 : i32
        %dma_start3A_126 = tpu.memref_slice %arg2[%run_scoped3A, %dma_start3A, %dma_start3A_125] : memref<5x7x768xf32, #tpu.memory_space<hbm>> -> memref<1x7x768xf32, #tpu.memory_space<hbm>>
        %dma_start3A_127 = tpu.memref_squeeze %dma_start3A_126 : memref<1x7x768xf32, #tpu.memory_space<hbm>> -> memref<7x768xf32, #tpu.memory_space<hbm>>
        %dma_start3A_128 = arith.constant 0 : i32
        %dma_start3A_129 = arith.constant 0 : i32
        %dma_start3A_130 = tpu.memref_slice %arg2[%run_scoped3A, %dma_start3A_128, %dma_start3A_129] : memref<5x7x768xf32, #tpu.memory_space<hbm>> -> memref<1x7x768xf32, #tpu.memory_space<hbm>>
        %dma_start3A_131 = tpu.memref_squeeze %dma_start3A_130 : memref<1x7x768xf32, #tpu.memory_space<hbm>> -> memref<7x768xf32, #tpu.memory_space<hbm>>
        tpu.enqueue_dma source(%dma_start3A_131 : memref<7x768xf32, #tpu.memory_space<hbm>>) target(%arg8 : memref<7x768xf32, #tpu.memory_space<vmem>>) target_semaphore(%run_scoped3A_124 : memref<!tpu.dma_semaphore, #tpu.memory_space<semaphore_mem>>)
        %dma_wait3A = arith.constant 0 : i32
        %dma_wait3A_132 = arith.constant 0 : i32
        %dma_wait3A_133 = tpu.memref_slice %arg2[%run_scoped3A, %dma_wait3A, %dma_wait3A_132] : memref<5x7x768xf32, #tpu.memory_space<hbm>> -> memref<1x7x768xf32, #tpu.memory_space<hbm>>
        %dma_wait3A_134 = tpu.memref_squeeze %dma_wait3A_133 : memref<1x7x768xf32, #tpu.memory_space<hbm>> -> memref<7x768xf32, #tpu.memory_space<hbm>>
        %dma_wait3A_135 = arith.constant 0 : i32
        %dma_wait3A_136 = arith.constant 0 : i32
        %dma_wait3A_137 = tpu.memref_slice %arg2[%run_scoped3A, %dma_wait3A_135, %dma_wait3A_136] : memref<5x7x768xf32, #tpu.memory_space<hbm>> -> memref<1x7x768xf32, #tpu.memory_space<hbm>>
        %dma_wait3A_138 = tpu.memref_squeeze %dma_wait3A_137 : memref<1x7x768xf32, #tpu.memory_space<hbm>> -> memref<7x768xf32, #tpu.memory_space<hbm>>
        tpu.wait_dma2 semaphore(%run_scoped3A_124 : memref<!tpu.dma_semaphore, #tpu.memory_space<semaphore_mem>>) src(%dma_wait3A_138 : memref<7x768xf32, #tpu.memory_space<hbm>>) dst(%arg8 : memref<7x768xf32, #tpu.memory_space<vmem>>)
        tpu.yield
      }) : () -> ()
      %run_scoped3A_123 = arith.constant 2 : i32
      "tpu.region"() ({
        %run_scoped3A_124 = tpu.sem_alloc : memref<!tpu.dma_semaphore, #tpu.memory_space<semaphore_mem>>
        %dma_start3A = arith.constant 0 : i32
        %dma_start3A_125 = arith.constant 0 : i32
        %dma_start3A_126 = tpu.memref_slice %arg5[%run_scoped3A_123, %dma_start3A, %dma_start3A_125] : memref<5x77x768xf32, #tpu.memory_space<hbm>> -> memref<1x7x768xf32, #tpu.memory_space<hbm>>
        %dma_start3A_127 = tpu.memref_squeeze %dma_start3A_126 : memref<1x7x768xf32, #tpu.memory_space<hbm>> -> memref<7x768xf32, #tpu.memory_space<hbm>>
        %dma_start3A_128 = arith.constant 0 : i32
        %dma_start3A_129 = arith.constant 0 : i32
        %dma_start3A_130 = tpu.memref_slice %arg5[%run_scoped3A_123, %dma_start3A_128, %dma_start3A_129] : memref<5x77x768xf32, #tpu.memory_space<hbm>> -> memref<1x7x768xf32, #tpu.memory_space<hbm>>
        %dma_start3A_131 = tpu.memref_squeeze %dma_start3A_130 : memref<1x7x768xf32, #tpu.memory_space<hbm>> -> memref<7x768xf32, #tpu.memory_space<hbm>>
        tpu.enqueue_dma source(%arg8 : memref<7x768xf32, #tpu.memory_space<vmem>>) target(%dma_start3A_131 : memref<7x768xf32, #tpu.memory_space<hbm>>) target_semaphore(%run_scoped3A_124 : memref<!tpu.dma_semaphore, #tpu.memory_space<semaphore_mem>>)
        %dma_wait3A = arith.constant 0 : i32
        %dma_wait3A_132 = arith.constant 0 : i32
        %dma_wait3A_133 = tpu.memref_slice %arg5[%run_scoped3A_123, %dma_wait3A, %dma_wait3A_132] : memref<5x77x768xf32, #tpu.memory_space<hbm>> -> memref<1x7x768xf32, #tpu.memory_space<hbm>>
        %dma_wait3A_134 = tpu.memref_squeeze %dma_wait3A_133 : memref<1x7x768xf32, #tpu.memory_space<hbm>> -> memref<7x768xf32, #tpu.memory_space<hbm>>
        %dma_wait3A_135 = arith.constant 0 : i32
        %dma_wait3A_136 = arith.constant 0 : i32
        %dma_wait3A_137 = tpu.memref_slice %arg5[%run_scoped3A_123, %dma_wait3A_135, %dma_wait3A_136] : memref<5x77x768xf32, #tpu.memory_space<hbm>> -> memref<1x7x768xf32, #tpu.memory_space<hbm>>
        %dma_wait3A_138 = tpu.memref_squeeze %dma_wait3A_137 : memref<1x7x768xf32, #tpu.memory_space<hbm>> -> memref<7x768xf32, #tpu.memory_space<hbm>>
        tpu.wait_dma2 semaphore(%run_scoped3A_124 : memref<!tpu.dma_semaphore, #tpu.memory_space<semaphore_mem>>) src(%arg8 : memref<7x768xf32, #tpu.memory_space<vmem>>) dst(%dma_wait3A_138 : memref<7x768xf32, #tpu.memory_space<hbm>>)
        tpu.yield
      }) : () -> ()
    } else {
    }
    %eq3A_88 = arith.constant 18 : i32
    %eq3A_89 = arith.cmpi eq, %add3A, %eq3A_88 : i32
    %convert_element_type3A_90 = arith.extui %eq3A_89 : i1 to i32
    %cond3A_91 = arith.constant 0 : i32
    %cond3A_92 = arith.cmpi ne, %convert_element_type3A_90, %cond3A_91 : i32
    scf.if %cond3A_92 {
      %run_scoped3A = arith.constant 3 : i32
      "tpu.region"() ({
        %run_scoped3A_124 = tpu.sem_alloc : memref<!tpu.dma_semaphore, #tpu.memory_space<semaphore_mem>>
        %dma_start3A = arith.constant 0 : i32
        %dma_start3A_125 = arith.constant 0 : i32
        %dma_start3A_126 = tpu.memref_slice %arg2[%run_scoped3A, %dma_start3A, %dma_start3A_125] : memref<5x7x768xf32, #tpu.memory_space<hbm>> -> memref<1x7x768xf32, #tpu.memory_space<hbm>>
        %dma_start3A_127 = tpu.memref_squeeze %dma_start3A_126 : memref<1x7x768xf32, #tpu.memory_space<hbm>> -> memref<7x768xf32, #tpu.memory_space<hbm>>
        %dma_start3A_128 = arith.constant 0 : i32
        %dma_start3A_129 = arith.constant 0 : i32
        %dma_start3A_130 = tpu.memref_slice %arg2[%run_scoped3A, %dma_start3A_128, %dma_start3A_129] : memref<5x7x768xf32, #tpu.memory_space<hbm>> -> memref<1x7x768xf32, #tpu.memory_space<hbm>>
        %dma_start3A_131 = tpu.memref_squeeze %dma_start3A_130 : memref<1x7x768xf32, #tpu.memory_space<hbm>> -> memref<7x768xf32, #tpu.memory_space<hbm>>
        tpu.enqueue_dma source(%dma_start3A_131 : memref<7x768xf32, #tpu.memory_space<hbm>>) target(%arg8 : memref<7x768xf32, #tpu.memory_space<vmem>>) target_semaphore(%run_scoped3A_124 : memref<!tpu.dma_semaphore, #tpu.memory_space<semaphore_mem>>)
        %dma_wait3A = arith.constant 0 : i32
        %dma_wait3A_132 = arith.constant 0 : i32
        %dma_wait3A_133 = tpu.memref_slice %arg2[%run_scoped3A, %dma_wait3A, %dma_wait3A_132] : memref<5x7x768xf32, #tpu.memory_space<hbm>> -> memref<1x7x768xf32, #tpu.memory_space<hbm>>
        %dma_wait3A_134 = tpu.memref_squeeze %dma_wait3A_133 : memref<1x7x768xf32, #tpu.memory_space<hbm>> -> memref<7x768xf32, #tpu.memory_space<hbm>>
        %dma_wait3A_135 = arith.constant 0 : i32
        %dma_wait3A_136 = arith.constant 0 : i32
        %dma_wait3A_137 = tpu.memref_slice %arg2[%run_scoped3A, %dma_wait3A_135, %dma_wait3A_136] : memref<5x7x768xf32, #tpu.memory_space<hbm>> -> memref<1x7x768xf32, #tpu.memory_space<hbm>>
        %dma_wait3A_138 = tpu.memref_squeeze %dma_wait3A_137 : memref<1x7x768xf32, #tpu.memory_space<hbm>> -> memref<7x768xf32, #tpu.memory_space<hbm>>
        tpu.wait_dma2 semaphore(%run_scoped3A_124 : memref<!tpu.dma_semaphore, #tpu.memory_space<semaphore_mem>>) src(%dma_wait3A_138 : memref<7x768xf32, #tpu.memory_space<hbm>>) dst(%arg8 : memref<7x768xf32, #tpu.memory_space<vmem>>)
        tpu.yield
      }) : () -> ()
      %run_scoped3A_123 = arith.constant 3 : i32
      "tpu.region"() ({
        %run_scoped3A_124 = tpu.sem_alloc : memref<!tpu.dma_semaphore, #tpu.memory_space<semaphore_mem>>
        %dma_start3A = arith.constant 0 : i32
        %dma_start3A_125 = arith.constant 0 : i32
        %dma_start3A_126 = tpu.memref_slice %arg5[%run_scoped3A_123, %dma_start3A, %dma_start3A_125] : memref<5x77x768xf32, #tpu.memory_space<hbm>> -> memref<1x7x768xf32, #tpu.memory_space<hbm>>
        %dma_start3A_127 = tpu.memref_squeeze %dma_start3A_126 : memref<1x7x768xf32, #tpu.memory_space<hbm>> -> memref<7x768xf32, #tpu.memory_space<hbm>>
        %dma_start3A_128 = arith.constant 0 : i32
        %dma_start3A_129 = arith.constant 0 : i32
        %dma_start3A_130 = tpu.memref_slice %arg5[%run_scoped3A_123, %dma_start3A_128, %dma_start3A_129] : memref<5x77x768xf32, #tpu.memory_space<hbm>> -> memref<1x7x768xf32, #tpu.memory_space<hbm>>
        %dma_start3A_131 = tpu.memref_squeeze %dma_start3A_130 : memref<1x7x768xf32, #tpu.memory_space<hbm>> -> memref<7x768xf32, #tpu.memory_space<hbm>>
        tpu.enqueue_dma source(%arg8 : memref<7x768xf32, #tpu.memory_space<vmem>>) target(%dma_start3A_131 : memref<7x768xf32, #tpu.memory_space<hbm>>) target_semaphore(%run_scoped3A_124 : memref<!tpu.dma_semaphore, #tpu.memory_space<semaphore_mem>>)
        %dma_wait3A = arith.constant 0 : i32
        %dma_wait3A_132 = arith.constant 0 : i32
        %dma_wait3A_133 = tpu.memref_slice %arg5[%run_scoped3A_123, %dma_wait3A, %dma_wait3A_132] : memref<5x77x768xf32, #tpu.memory_space<hbm>> -> memref<1x7x768xf32, #tpu.memory_space<hbm>>
        %dma_wait3A_134 = tpu.memref_squeeze %dma_wait3A_133 : memref<1x7x768xf32, #tpu.memory_space<hbm>> -> memref<7x768xf32, #tpu.memory_space<hbm>>
        %dma_wait3A_135 = arith.constant 0 : i32
        %dma_wait3A_136 = arith.constant 0 : i32
        %dma_wait3A_137 = tpu.memref_slice %arg5[%run_scoped3A_123, %dma_wait3A_135, %dma_wait3A_136] : memref<5x77x768xf32, #tpu.memory_space<hbm>> -> memref<1x7x768xf32, #tpu.memory_space<hbm>>
        %dma_wait3A_138 = tpu.memref_squeeze %dma_wait3A_137 : memref<1x7x768xf32, #tpu.memory_space<hbm>> -> memref<7x768xf32, #tpu.memory_space<hbm>>
        tpu.wait_dma2 semaphore(%run_scoped3A_124 : memref<!tpu.dma_semaphore, #tpu.memory_space<semaphore_mem>>) src(%arg8 : memref<7x768xf32, #tpu.memory_space<vmem>>) dst(%dma_wait3A_138 : memref<7x768xf32, #tpu.memory_space<hbm>>)
        tpu.yield
      }) : () -> ()
    } else {
    }
    %eq3A_93 = arith.constant 19 : i32
    %eq3A_94 = arith.cmpi eq, %add3A, %eq3A_93 : i32
    %convert_element_type3A_95 = arith.extui %eq3A_94 : i1 to i32
    %cond3A_96 = arith.constant 0 : i32
    %cond3A_97 = arith.cmpi ne, %convert_element_type3A_95, %cond3A_96 : i32
    scf.if %cond3A_97 {
      %run_scoped3A = arith.constant 4 : i32
      "tpu.region"() ({
        %run_scoped3A_124 = tpu.sem_alloc : memref<!tpu.dma_semaphore, #tpu.memory_space<semaphore_mem>>
        %dma_start3A = arith.constant 0 : i32
        %dma_start3A_125 = arith.constant 0 : i32
        %dma_start3A_126 = tpu.memref_slice %arg2[%run_scoped3A, %dma_start3A, %dma_start3A_125] : memref<5x7x768xf32, #tpu.memory_space<hbm>> -> memref<1x7x768xf32, #tpu.memory_space<hbm>>
        %dma_start3A_127 = tpu.memref_squeeze %dma_start3A_126 : memref<1x7x768xf32, #tpu.memory_space<hbm>> -> memref<7x768xf32, #tpu.memory_space<hbm>>
        %dma_start3A_128 = arith.constant 0 : i32
        %dma_start3A_129 = arith.constant 0 : i32
        %dma_start3A_130 = tpu.memref_slice %arg2[%run_scoped3A, %dma_start3A_128, %dma_start3A_129] : memref<5x7x768xf32, #tpu.memory_space<hbm>> -> memref<1x7x768xf32, #tpu.memory_space<hbm>>
        %dma_start3A_131 = tpu.memref_squeeze %dma_start3A_130 : memref<1x7x768xf32, #tpu.memory_space<hbm>> -> memref<7x768xf32, #tpu.memory_space<hbm>>
        tpu.enqueue_dma source(%dma_start3A_131 : memref<7x768xf32, #tpu.memory_space<hbm>>) target(%arg8 : memref<7x768xf32, #tpu.memory_space<vmem>>) target_semaphore(%run_scoped3A_124 : memref<!tpu.dma_semaphore, #tpu.memory_space<semaphore_mem>>)
        %dma_wait3A = arith.constant 0 : i32
        %dma_wait3A_132 = arith.constant 0 : i32
        %dma_wait3A_133 = tpu.memref_slice %arg2[%run_scoped3A, %dma_wait3A, %dma_wait3A_132] : memref<5x7x768xf32, #tpu.memory_space<hbm>> -> memref<1x7x768xf32, #tpu.memory_space<hbm>>
        %dma_wait3A_134 = tpu.memref_squeeze %dma_wait3A_133 : memref<1x7x768xf32, #tpu.memory_space<hbm>> -> memref<7x768xf32, #tpu.memory_space<hbm>>
        %dma_wait3A_135 = arith.constant 0 : i32
        %dma_wait3A_136 = arith.constant 0 : i32
        %dma_wait3A_137 = tpu.memref_slice %arg2[%run_scoped3A, %dma_wait3A_135, %dma_wait3A_136] : memref<5x7x768xf32, #tpu.memory_space<hbm>> -> memref<1x7x768xf32, #tpu.memory_space<hbm>>
        %dma_wait3A_138 = tpu.memref_squeeze %dma_wait3A_137 : memref<1x7x768xf32, #tpu.memory_space<hbm>> -> memref<7x768xf32, #tpu.memory_space<hbm>>
        tpu.wait_dma2 semaphore(%run_scoped3A_124 : memref<!tpu.dma_semaphore, #tpu.memory_space<semaphore_mem>>) src(%dma_wait3A_138 : memref<7x768xf32, #tpu.memory_space<hbm>>) dst(%arg8 : memref<7x768xf32, #tpu.memory_space<vmem>>)
        tpu.yield
      }) : () -> ()
      %run_scoped3A_123 = arith.constant 4 : i32
      "tpu.region"() ({
        %run_scoped3A_124 = tpu.sem_alloc : memref<!tpu.dma_semaphore, #tpu.memory_space<semaphore_mem>>
        %dma_start3A = arith.constant 0 : i32
        %dma_start3A_125 = arith.constant 0 : i32
        %dma_start3A_126 = tpu.memref_slice %arg5[%run_scoped3A_123, %dma_start3A, %dma_start3A_125] : memref<5x77x768xf32, #tpu.memory_space<hbm>> -> memref<1x7x768xf32, #tpu.memory_space<hbm>>
        %dma_start3A_127 = tpu.memref_squeeze %dma_start3A_126 : memref<1x7x768xf32, #tpu.memory_space<hbm>> -> memref<7x768xf32, #tpu.memory_space<hbm>>
        %dma_start3A_128 = arith.constant 0 : i32
        %dma_start3A_129 = arith.constant 0 : i32
        %dma_start3A_130 = tpu.memref_slice %arg5[%run_scoped3A_123, %dma_start3A_128, %dma_start3A_129] : memref<5x77x768xf32, #tpu.memory_space<hbm>> -> memref<1x7x768xf32, #tpu.memory_space<hbm>>
        %dma_start3A_131 = tpu.memref_squeeze %dma_start3A_130 : memref<1x7x768xf32, #tpu.memory_space<hbm>> -> memref<7x768xf32, #tpu.memory_space<hbm>>
        tpu.enqueue_dma source(%arg8 : memref<7x768xf32, #tpu.memory_space<vmem>>) target(%dma_start3A_131 : memref<7x768xf32, #tpu.memory_space<hbm>>) target_semaphore(%run_scoped3A_124 : memref<!tpu.dma_semaphore, #tpu.memory_space<semaphore_mem>>)
        %dma_wait3A = arith.constant 0 : i32
        %dma_wait3A_132 = arith.constant 0 : i32
        %dma_wait3A_133 = tpu.memref_slice %arg5[%run_scoped3A_123, %dma_wait3A, %dma_wait3A_132] : memref<5x77x768xf32, #tpu.memory_space<hbm>> -> memref<1x7x768xf32, #tpu.memory_space<hbm>>
        %dma_wait3A_134 = tpu.memref_squeeze %dma_wait3A_133 : memref<1x7x768xf32, #tpu.memory_space<hbm>> -> memref<7x768xf32, #tpu.memory_space<hbm>>
        %dma_wait3A_135 = arith.constant 0 : i32
        %dma_wait3A_136 = arith.constant 0 : i32
        %dma_wait3A_137 = tpu.memref_slice %arg5[%run_scoped3A_123, %dma_wait3A_135, %dma_wait3A_136] : memref<5x77x768xf32, #tpu.memory_space<hbm>> -> memref<1x7x768xf32, #tpu.memory_space<hbm>>
        %dma_wait3A_138 = tpu.memref_squeeze %dma_wait3A_137 : memref<1x7x768xf32, #tpu.memory_space<hbm>> -> memref<7x768xf32, #tpu.memory_space<hbm>>
        tpu.wait_dma2 semaphore(%run_scoped3A_124 : memref<!tpu.dma_semaphore, #tpu.memory_space<semaphore_mem>>) src(%arg8 : memref<7x768xf32, #tpu.memory_space<vmem>>) dst(%dma_wait3A_138 : memref<7x768xf32, #tpu.memory_space<hbm>>)
        tpu.yield
      }) : () -> ()
    } else {
    }
    %eq3A_98 = arith.constant 20 : i32
    %eq3A_99 = arith.cmpi eq, %add3A, %eq3A_98 : i32
    %convert_element_type3A_100 = arith.extui %eq3A_99 : i1 to i32
    %cond3A_101 = arith.constant 0 : i32
    %cond3A_102 = arith.cmpi ne, %convert_element_type3A_100, %cond3A_101 : i32
    scf.if %cond3A_102 {
      "tpu.region"() ({
        %run_scoped3A_123 = tpu.sem_alloc : memref<!tpu.dma_semaphore, #tpu.memory_space<semaphore_mem>>
        %dma_start3A = arith.constant 0 : i32
        %dma_start3A_124 = arith.constant 0 : i32
        %dma_start3A_125 = tpu.memref_slice %arg3[%dma_start3A, %dma_start3A_124] : memref<5x768xf32, #tpu.memory_space<hbm>> -> memref<1x768xf32, #tpu.memory_space<hbm>>
        %dma_start3A_126 = arith.constant 0 : i32
        %dma_start3A_127 = arith.constant 0 : i32
        %dma_start3A_128 = tpu.memref_slice %arg3[%dma_start3A_126, %dma_start3A_127] : memref<5x768xf32, #tpu.memory_space<hbm>> -> memref<1x768xf32, #tpu.memory_space<hbm>>
        tpu.enqueue_dma source(%dma_start3A_128 : memref<1x768xf32, #tpu.memory_space<hbm>>) target(%arg9 : memref<1x768xf32, #tpu.memory_space<vmem>>) target_semaphore(%run_scoped3A_123 : memref<!tpu.dma_semaphore, #tpu.memory_space<semaphore_mem>>)
        %dma_wait3A = arith.constant 0 : i32
        %dma_wait3A_129 = arith.constant 0 : i32
        %dma_wait3A_130 = tpu.memref_slice %arg3[%dma_wait3A, %dma_wait3A_129] : memref<5x768xf32, #tpu.memory_space<hbm>> -> memref<1x768xf32, #tpu.memory_space<hbm>>
        %dma_wait3A_131 = arith.constant 0 : i32
        %dma_wait3A_132 = arith.constant 0 : i32
        %dma_wait3A_133 = tpu.memref_slice %arg3[%dma_wait3A_131, %dma_wait3A_132] : memref<5x768xf32, #tpu.memory_space<hbm>> -> memref<1x768xf32, #tpu.memory_space<hbm>>
        tpu.wait_dma2 semaphore(%run_scoped3A_123 : memref<!tpu.dma_semaphore, #tpu.memory_space<semaphore_mem>>) src(%dma_wait3A_133 : memref<1x768xf32, #tpu.memory_space<hbm>>) dst(%arg9 : memref<1x768xf32, #tpu.memory_space<vmem>>)
        tpu.yield
      }) : () -> ()
      %run_scoped3A = arith.constant 0 : i32
      "tpu.region"() ({
        %run_scoped3A_123 = tpu.sem_alloc : memref<!tpu.dma_semaphore, #tpu.memory_space<semaphore_mem>>
        %dma_start3A = arith.constant 7 : i32
        %dma_start3A_124 = arith.constant 0 : i32
        %dma_start3A_125 = tpu.memref_slice %arg5[%run_scoped3A, %dma_start3A, %dma_start3A_124] : memref<5x77x768xf32, #tpu.memory_space<hbm>> -> memref<1x1x768xf32, #tpu.memory_space<hbm>>
        %dma_start3A_126 = tpu.memref_squeeze %dma_start3A_125 : memref<1x1x768xf32, #tpu.memory_space<hbm>> -> memref<1x768xf32, #tpu.memory_space<hbm>>
        %dma_start3A_127 = arith.constant 7 : i32
        %dma_start3A_128 = arith.constant 0 : i32
        %dma_start3A_129 = tpu.memref_slice %arg5[%run_scoped3A, %dma_start3A_127, %dma_start3A_128] : memref<5x77x768xf32, #tpu.memory_space<hbm>> -> memref<1x1x768xf32, #tpu.memory_space<hbm>>
        %dma_start3A_130 = tpu.memref_squeeze %dma_start3A_129 : memref<1x1x768xf32, #tpu.memory_space<hbm>> -> memref<1x768xf32, #tpu.memory_space<hbm>>
        tpu.enqueue_dma source(%arg9 : memref<1x768xf32, #tpu.memory_space<vmem>>) target(%dma_start3A_130 : memref<1x768xf32, #tpu.memory_space<hbm>>) target_semaphore(%run_scoped3A_123 : memref<!tpu.dma_semaphore, #tpu.memory_space<semaphore_mem>>)
        %dma_wait3A = arith.constant 7 : i32
        %dma_wait3A_131 = arith.constant 0 : i32
        %dma_wait3A_132 = tpu.memref_slice %arg5[%run_scoped3A, %dma_wait3A, %dma_wait3A_131] : memref<5x77x768xf32, #tpu.memory_space<hbm>> -> memref<1x1x768xf32, #tpu.memory_space<hbm>>
        %dma_wait3A_133 = tpu.memref_squeeze %dma_wait3A_132 : memref<1x1x768xf32, #tpu.memory_space<hbm>> -> memref<1x768xf32, #tpu.memory_space<hbm>>
        %dma_wait3A_134 = arith.constant 7 : i32
        %dma_wait3A_135 = arith.constant 0 : i32
        %dma_wait3A_136 = tpu.memref_slice %arg5[%run_scoped3A, %dma_wait3A_134, %dma_wait3A_135] : memref<5x77x768xf32, #tpu.memory_space<hbm>> -> memref<1x1x768xf32, #tpu.memory_space<hbm>>
        %dma_wait3A_137 = tpu.memref_squeeze %dma_wait3A_136 : memref<1x1x768xf32, #tpu.memory_space<hbm>> -> memref<1x768xf32, #tpu.memory_space<hbm>>
        tpu.wait_dma2 semaphore(%run_scoped3A_123 : memref<!tpu.dma_semaphore, #tpu.memory_space<semaphore_mem>>) src(%arg9 : memref<1x768xf32, #tpu.memory_space<vmem>>) dst(%dma_wait3A_137 : memref<1x768xf32, #tpu.memory_space<hbm>>)
        tpu.yield
      }) : () -> ()
    } else {
    }
    %eq3A_103 = arith.constant 21 : i32
    %eq3A_104 = arith.cmpi eq, %add3A, %eq3A_103 : i32
    %convert_element_type3A_105 = arith.extui %eq3A_104 : i1 to i32
    %cond3A_106 = arith.constant 0 : i32
    %cond3A_107 = arith.cmpi ne, %convert_element_type3A_105, %cond3A_106 : i32
    scf.if %cond3A_107 {
      "tpu.region"() ({
        %run_scoped3A_123 = tpu.sem_alloc : memref<!tpu.dma_semaphore, #tpu.memory_space<semaphore_mem>>
        %dma_start3A = arith.constant 1 : i32
        %dma_start3A_124 = arith.constant 0 : i32
        %dma_start3A_125 = tpu.memref_slice %arg3[%dma_start3A, %dma_start3A_124] : memref<5x768xf32, #tpu.memory_space<hbm>> -> memref<1x768xf32, #tpu.memory_space<hbm>>
        %dma_start3A_126 = arith.constant 1 : i32
        %dma_start3A_127 = arith.constant 0 : i32
        %dma_start3A_128 = tpu.memref_slice %arg3[%dma_start3A_126, %dma_start3A_127] : memref<5x768xf32, #tpu.memory_space<hbm>> -> memref<1x768xf32, #tpu.memory_space<hbm>>
        tpu.enqueue_dma source(%dma_start3A_128 : memref<1x768xf32, #tpu.memory_space<hbm>>) target(%arg9 : memref<1x768xf32, #tpu.memory_space<vmem>>) target_semaphore(%run_scoped3A_123 : memref<!tpu.dma_semaphore, #tpu.memory_space<semaphore_mem>>)
        %dma_wait3A = arith.constant 1 : i32
        %dma_wait3A_129 = arith.constant 0 : i32
        %dma_wait3A_130 = tpu.memref_slice %arg3[%dma_wait3A, %dma_wait3A_129] : memref<5x768xf32, #tpu.memory_space<hbm>> -> memref<1x768xf32, #tpu.memory_space<hbm>>
        %dma_wait3A_131 = arith.constant 1 : i32
        %dma_wait3A_132 = arith.constant 0 : i32
        %dma_wait3A_133 = tpu.memref_slice %arg3[%dma_wait3A_131, %dma_wait3A_132] : memref<5x768xf32, #tpu.memory_space<hbm>> -> memref<1x768xf32, #tpu.memory_space<hbm>>
        tpu.wait_dma2 semaphore(%run_scoped3A_123 : memref<!tpu.dma_semaphore, #tpu.memory_space<semaphore_mem>>) src(%dma_wait3A_133 : memref<1x768xf32, #tpu.memory_space<hbm>>) dst(%arg9 : memref<1x768xf32, #tpu.memory_space<vmem>>)
        tpu.yield
      }) : () -> ()
      %run_scoped3A = arith.constant 1 : i32
      "tpu.region"() ({
        %run_scoped3A_123 = tpu.sem_alloc : memref<!tpu.dma_semaphore, #tpu.memory_space<semaphore_mem>>
        %dma_start3A = arith.constant 7 : i32
        %dma_start3A_124 = arith.constant 0 : i32
        %dma_start3A_125 = tpu.memref_slice %arg5[%run_scoped3A, %dma_start3A, %dma_start3A_124] : memref<5x77x768xf32, #tpu.memory_space<hbm>> -> memref<1x1x768xf32, #tpu.memory_space<hbm>>
        %dma_start3A_126 = tpu.memref_squeeze %dma_start3A_125 : memref<1x1x768xf32, #tpu.memory_space<hbm>> -> memref<1x768xf32, #tpu.memory_space<hbm>>
        %dma_start3A_127 = arith.constant 7 : i32
        %dma_start3A_128 = arith.constant 0 : i32
        %dma_start3A_129 = tpu.memref_slice %arg5[%run_scoped3A, %dma_start3A_127, %dma_start3A_128] : memref<5x77x768xf32, #tpu.memory_space<hbm>> -> memref<1x1x768xf32, #tpu.memory_space<hbm>>
        %dma_start3A_130 = tpu.memref_squeeze %dma_start3A_129 : memref<1x1x768xf32, #tpu.memory_space<hbm>> -> memref<1x768xf32, #tpu.memory_space<hbm>>
        tpu.enqueue_dma source(%arg9 : memref<1x768xf32, #tpu.memory_space<vmem>>) target(%dma_start3A_130 : memref<1x768xf32, #tpu.memory_space<hbm>>) target_semaphore(%run_scoped3A_123 : memref<!tpu.dma_semaphore, #tpu.memory_space<semaphore_mem>>)
        %dma_wait3A = arith.constant 7 : i32
        %dma_wait3A_131 = arith.constant 0 : i32
        %dma_wait3A_132 = tpu.memref_slice %arg5[%run_scoped3A, %dma_wait3A, %dma_wait3A_131] : memref<5x77x768xf32, #tpu.memory_space<hbm>> -> memref<1x1x768xf32, #tpu.memory_space<hbm>>
        %dma_wait3A_133 = tpu.memref_squeeze %dma_wait3A_132 : memref<1x1x768xf32, #tpu.memory_space<hbm>> -> memref<1x768xf32, #tpu.memory_space<hbm>>
        %dma_wait3A_134 = arith.constant 7 : i32
        %dma_wait3A_135 = arith.constant 0 : i32
        %dma_wait3A_136 = tpu.memref_slice %arg5[%run_scoped3A, %dma_wait3A_134, %dma_wait3A_135] : memref<5x77x768xf32, #tpu.memory_space<hbm>> -> memref<1x1x768xf32, #tpu.memory_space<hbm>>
        %dma_wait3A_137 = tpu.memref_squeeze %dma_wait3A_136 : memref<1x1x768xf32, #tpu.memory_space<hbm>> -> memref<1x768xf32, #tpu.memory_space<hbm>>
        tpu.wait_dma2 semaphore(%run_scoped3A_123 : memref<!tpu.dma_semaphore, #tpu.memory_space<semaphore_mem>>) src(%arg9 : memref<1x768xf32, #tpu.memory_space<vmem>>) dst(%dma_wait3A_137 : memref<1x768xf32, #tpu.memory_space<hbm>>)
        tpu.yield
      }) : () -> ()
    } else {
    }
    %eq3A_108 = arith.constant 22 : i32
    %eq3A_109 = arith.cmpi eq, %add3A, %eq3A_108 : i32
    %convert_element_type3A_110 = arith.extui %eq3A_109 : i1 to i32
    %cond3A_111 = arith.constant 0 : i32
    %cond3A_112 = arith.cmpi ne, %convert_element_type3A_110, %cond3A_111 : i32
    scf.if %cond3A_112 {
      "tpu.region"() ({
        %run_scoped3A_123 = tpu.sem_alloc : memref<!tpu.dma_semaphore, #tpu.memory_space<semaphore_mem>>
        %dma_start3A = arith.constant 2 : i32
        %dma_start3A_124 = arith.constant 0 : i32
        %dma_start3A_125 = tpu.memref_slice %arg3[%dma_start3A, %dma_start3A_124] : memref<5x768xf32, #tpu.memory_space<hbm>> -> memref<1x768xf32, #tpu.memory_space<hbm>>
        %dma_start3A_126 = arith.constant 2 : i32
        %dma_start3A_127 = arith.constant 0 : i32
        %dma_start3A_128 = tpu.memref_slice %arg3[%dma_start3A_126, %dma_start3A_127] : memref<5x768xf32, #tpu.memory_space<hbm>> -> memref<1x768xf32, #tpu.memory_space<hbm>>
        tpu.enqueue_dma source(%dma_start3A_128 : memref<1x768xf32, #tpu.memory_space<hbm>>) target(%arg9 : memref<1x768xf32, #tpu.memory_space<vmem>>) target_semaphore(%run_scoped3A_123 : memref<!tpu.dma_semaphore, #tpu.memory_space<semaphore_mem>>)
        %dma_wait3A = arith.constant 2 : i32
        %dma_wait3A_129 = arith.constant 0 : i32
        %dma_wait3A_130 = tpu.memref_slice %arg3[%dma_wait3A, %dma_wait3A_129] : memref<5x768xf32, #tpu.memory_space<hbm>> -> memref<1x768xf32, #tpu.memory_space<hbm>>
        %dma_wait3A_131 = arith.constant 2 : i32
        %dma_wait3A_132 = arith.constant 0 : i32
        %dma_wait3A_133 = tpu.memref_slice %arg3[%dma_wait3A_131, %dma_wait3A_132] : memref<5x768xf32, #tpu.memory_space<hbm>> -> memref<1x768xf32, #tpu.memory_space<hbm>>
        tpu.wait_dma2 semaphore(%run_scoped3A_123 : memref<!tpu.dma_semaphore, #tpu.memory_space<semaphore_mem>>) src(%dma_wait3A_133 : memref<1x768xf32, #tpu.memory_space<hbm>>) dst(%arg9 : memref<1x768xf32, #tpu.memory_space<vmem>>)
        tpu.yield
      }) : () -> ()
      %run_scoped3A = arith.constant 2 : i32
      "tpu.region"() ({
        %run_scoped3A_123 = tpu.sem_alloc : memref<!tpu.dma_semaphore, #tpu.memory_space<semaphore_mem>>
        %dma_start3A = arith.constant 7 : i32
        %dma_start3A_124 = arith.constant 0 : i32
        %dma_start3A_125 = tpu.memref_slice %arg5[%run_scoped3A, %dma_start3A, %dma_start3A_124] : memref<5x77x768xf32, #tpu.memory_space<hbm>> -> memref<1x1x768xf32, #tpu.memory_space<hbm>>
        %dma_start3A_126 = tpu.memref_squeeze %dma_start3A_125 : memref<1x1x768xf32, #tpu.memory_space<hbm>> -> memref<1x768xf32, #tpu.memory_space<hbm>>
        %dma_start3A_127 = arith.constant 7 : i32
        %dma_start3A_128 = arith.constant 0 : i32
        %dma_start3A_129 = tpu.memref_slice %arg5[%run_scoped3A, %dma_start3A_127, %dma_start3A_128] : memref<5x77x768xf32, #tpu.memory_space<hbm>> -> memref<1x1x768xf32, #tpu.memory_space<hbm>>
        %dma_start3A_130 = tpu.memref_squeeze %dma_start3A_129 : memref<1x1x768xf32, #tpu.memory_space<hbm>> -> memref<1x768xf32, #tpu.memory_space<hbm>>
        tpu.enqueue_dma source(%arg9 : memref<1x768xf32, #tpu.memory_space<vmem>>) target(%dma_start3A_130 : memref<1x768xf32, #tpu.memory_space<hbm>>) target_semaphore(%run_scoped3A_123 : memref<!tpu.dma_semaphore, #tpu.memory_space<semaphore_mem>>)
        %dma_wait3A = arith.constant 7 : i32
        %dma_wait3A_131 = arith.constant 0 : i32
        %dma_wait3A_132 = tpu.memref_slice %arg5[%run_scoped3A, %dma_wait3A, %dma_wait3A_131] : memref<5x77x768xf32, #tpu.memory_space<hbm>> -> memref<1x1x768xf32, #tpu.memory_space<hbm>>
        %dma_wait3A_133 = tpu.memref_squeeze %dma_wait3A_132 : memref<1x1x768xf32, #tpu.memory_space<hbm>> -> memref<1x768xf32, #tpu.memory_space<hbm>>
        %dma_wait3A_134 = arith.constant 7 : i32
        %dma_wait3A_135 = arith.constant 0 : i32
        %dma_wait3A_136 = tpu.memref_slice %arg5[%run_scoped3A, %dma_wait3A_134, %dma_wait3A_135] : memref<5x77x768xf32, #tpu.memory_space<hbm>> -> memref<1x1x768xf32, #tpu.memory_space<hbm>>
        %dma_wait3A_137 = tpu.memref_squeeze %dma_wait3A_136 : memref<1x1x768xf32, #tpu.memory_space<hbm>> -> memref<1x768xf32, #tpu.memory_space<hbm>>
        tpu.wait_dma2 semaphore(%run_scoped3A_123 : memref<!tpu.dma_semaphore, #tpu.memory_space<semaphore_mem>>) src(%arg9 : memref<1x768xf32, #tpu.memory_space<vmem>>) dst(%dma_wait3A_137 : memref<1x768xf32, #tpu.memory_space<hbm>>)
        tpu.yield
      }) : () -> ()
    } else {
    }
    %eq3A_113 = arith.constant 23 : i32
    %eq3A_114 = arith.cmpi eq, %add3A, %eq3A_113 : i32
    %convert_element_type3A_115 = arith.extui %eq3A_114 : i1 to i32
    %cond3A_116 = arith.constant 0 : i32
    %cond3A_117 = arith.cmpi ne, %convert_element_type3A_115, %cond3A_116 : i32
    scf.if %cond3A_117 {
      "tpu.region"() ({
        %run_scoped3A_123 = tpu.sem_alloc : memref<!tpu.dma_semaphore, #tpu.memory_space<semaphore_mem>>
        %dma_start3A = arith.constant 3 : i32
        %dma_start3A_124 = arith.constant 0 : i32
        %dma_start3A_125 = tpu.memref_slice %arg3[%dma_start3A, %dma_start3A_124] : memref<5x768xf32, #tpu.memory_space<hbm>> -> memref<1x768xf32, #tpu.memory_space<hbm>>
        %dma_start3A_126 = arith.constant 3 : i32
        %dma_start3A_127 = arith.constant 0 : i32
        %dma_start3A_128 = tpu.memref_slice %arg3[%dma_start3A_126, %dma_start3A_127] : memref<5x768xf32, #tpu.memory_space<hbm>> -> memref<1x768xf32, #tpu.memory_space<hbm>>
        tpu.enqueue_dma source(%dma_start3A_128 : memref<1x768xf32, #tpu.memory_space<hbm>>) target(%arg9 : memref<1x768xf32, #tpu.memory_space<vmem>>) target_semaphore(%run_scoped3A_123 : memref<!tpu.dma_semaphore, #tpu.memory_space<semaphore_mem>>)
        %dma_wait3A = arith.constant 3 : i32
        %dma_wait3A_129 = arith.constant 0 : i32
        %dma_wait3A_130 = tpu.memref_slice %arg3[%dma_wait3A, %dma_wait3A_129] : memref<5x768xf32, #tpu.memory_space<hbm>> -> memref<1x768xf32, #tpu.memory_space<hbm>>
        %dma_wait3A_131 = arith.constant 3 : i32
        %dma_wait3A_132 = arith.constant 0 : i32
        %dma_wait3A_133 = tpu.memref_slice %arg3[%dma_wait3A_131, %dma_wait3A_132] : memref<5x768xf32, #tpu.memory_space<hbm>> -> memref<1x768xf32, #tpu.memory_space<hbm>>
        tpu.wait_dma2 semaphore(%run_scoped3A_123 : memref<!tpu.dma_semaphore, #tpu.memory_space<semaphore_mem>>) src(%dma_wait3A_133 : memref<1x768xf32, #tpu.memory_space<hbm>>) dst(%arg9 : memref<1x768xf32, #tpu.memory_space<vmem>>)
        tpu.yield
      }) : () -> ()
      %run_scoped3A = arith.constant 3 : i32
      "tpu.region"() ({
        %run_scoped3A_123 = tpu.sem_alloc : memref<!tpu.dma_semaphore, #tpu.memory_space<semaphore_mem>>
        %dma_start3A = arith.constant 7 : i32
        %dma_start3A_124 = arith.constant 0 : i32
        %dma_start3A_125 = tpu.memref_slice %arg5[%run_scoped3A, %dma_start3A, %dma_start3A_124] : memref<5x77x768xf32, #tpu.memory_space<hbm>> -> memref<1x1x768xf32, #tpu.memory_space<hbm>>
        %dma_start3A_126 = tpu.memref_squeeze %dma_start3A_125 : memref<1x1x768xf32, #tpu.memory_space<hbm>> -> memref<1x768xf32, #tpu.memory_space<hbm>>
        %dma_start3A_127 = arith.constant 7 : i32
        %dma_start3A_128 = arith.constant 0 : i32
        %dma_start3A_129 = tpu.memref_slice %arg5[%run_scoped3A, %dma_start3A_127, %dma_start3A_128] : memref<5x77x768xf32, #tpu.memory_space<hbm>> -> memref<1x1x768xf32, #tpu.memory_space<hbm>>
        %dma_start3A_130 = tpu.memref_squeeze %dma_start3A_129 : memref<1x1x768xf32, #tpu.memory_space<hbm>> -> memref<1x768xf32, #tpu.memory_space<hbm>>
        tpu.enqueue_dma source(%arg9 : memref<1x768xf32, #tpu.memory_space<vmem>>) target(%dma_start3A_130 : memref<1x768xf32, #tpu.memory_space<hbm>>) target_semaphore(%run_scoped3A_123 : memref<!tpu.dma_semaphore, #tpu.memory_space<semaphore_mem>>)
        %dma_wait3A = arith.constant 7 : i32
        %dma_wait3A_131 = arith.constant 0 : i32
        %dma_wait3A_132 = tpu.memref_slice %arg5[%run_scoped3A, %dma_wait3A, %dma_wait3A_131] : memref<5x77x768xf32, #tpu.memory_space<hbm>> -> memref<1x1x768xf32, #tpu.memory_space<hbm>>
        %dma_wait3A_133 = tpu.memref_squeeze %dma_wait3A_132 : memref<1x1x768xf32, #tpu.memory_space<hbm>> -> memref<1x768xf32, #tpu.memory_space<hbm>>
        %dma_wait3A_134 = arith.constant 7 : i32
        %dma_wait3A_135 = arith.constant 0 : i32
        %dma_wait3A_136 = tpu.memref_slice %arg5[%run_scoped3A, %dma_wait3A_134, %dma_wait3A_135] : memref<5x77x768xf32, #tpu.memory_space<hbm>> -> memref<1x1x768xf32, #tpu.memory_space<hbm>>
        %dma_wait3A_137 = tpu.memref_squeeze %dma_wait3A_136 : memref<1x1x768xf32, #tpu.memory_space<hbm>> -> memref<1x768xf32, #tpu.memory_space<hbm>>
        tpu.wait_dma2 semaphore(%run_scoped3A_123 : memref<!tpu.dma_semaphore, #tpu.memory_space<semaphore_mem>>) src(%arg9 : memref<1x768xf32, #tpu.memory_space<vmem>>) dst(%dma_wait3A_137 : memref<1x768xf32, #tpu.memory_space<hbm>>)
        tpu.yield
      }) : () -> ()
    } else {
    }
    %eq3A_118 = arith.constant 24 : i32
    %eq3A_119 = arith.cmpi eq, %add3A, %eq3A_118 : i32
    %convert_element_type3A_120 = arith.extui %eq3A_119 : i1 to i32
    %cond3A_121 = arith.constant 0 : i32
    %cond3A_122 = arith.cmpi ne, %convert_element_type3A_120, %cond3A_121 : i32
    scf.if %cond3A_122 {
      "tpu.region"() ({
        %run_scoped3A_123 = tpu.sem_alloc : memref<!tpu.dma_semaphore, #tpu.memory_space<semaphore_mem>>
        %dma_start3A = arith.constant 4 : i32
        %dma_start3A_124 = arith.constant 0 : i32
        %dma_start3A_125 = tpu.memref_slice %arg3[%dma_start3A, %dma_start3A_124] : memref<5x768xf32, #tpu.memory_space<hbm>> -> memref<1x768xf32, #tpu.memory_space<hbm>>
        %dma_start3A_126 = arith.constant 4 : i32
        %dma_start3A_127 = arith.constant 0 : i32
        %dma_start3A_128 = tpu.memref_slice %arg3[%dma_start3A_126, %dma_start3A_127] : memref<5x768xf32, #tpu.memory_space<hbm>> -> memref<1x768xf32, #tpu.memory_space<hbm>>
        tpu.enqueue_dma source(%dma_start3A_128 : memref<1x768xf32, #tpu.memory_space<hbm>>) target(%arg9 : memref<1x768xf32, #tpu.memory_space<vmem>>) target_semaphore(%run_scoped3A_123 : memref<!tpu.dma_semaphore, #tpu.memory_space<semaphore_mem>>)
        %dma_wait3A = arith.constant 4 : i32
        %dma_wait3A_129 = arith.constant 0 : i32
        %dma_wait3A_130 = tpu.memref_slice %arg3[%dma_wait3A, %dma_wait3A_129] : memref<5x768xf32, #tpu.memory_space<hbm>> -> memref<1x768xf32, #tpu.memory_space<hbm>>
        %dma_wait3A_131 = arith.constant 4 : i32
        %dma_wait3A_132 = arith.constant 0 : i32
        %dma_wait3A_133 = tpu.memref_slice %arg3[%dma_wait3A_131, %dma_wait3A_132] : memref<5x768xf32, #tpu.memory_space<hbm>> -> memref<1x768xf32, #tpu.memory_space<hbm>>
        tpu.wait_dma2 semaphore(%run_scoped3A_123 : memref<!tpu.dma_semaphore, #tpu.memory_space<semaphore_mem>>) src(%dma_wait3A_133 : memref<1x768xf32, #tpu.memory_space<hbm>>) dst(%arg9 : memref<1x768xf32, #tpu.memory_space<vmem>>)
        tpu.yield
      }) : () -> ()
      %run_scoped3A = arith.constant 4 : i32
      "tpu.region"() ({
        %run_scoped3A_123 = tpu.sem_alloc : memref<!tpu.dma_semaphore, #tpu.memory_space<semaphore_mem>>
        %dma_start3A = arith.constant 7 : i32
        %dma_start3A_124 = arith.constant 0 : i32
        %dma_start3A_125 = tpu.memref_slice %arg5[%run_scoped3A, %dma_start3A, %dma_start3A_124] : memref<5x77x768xf32, #tpu.memory_space<hbm>> -> memref<1x1x768xf32, #tpu.memory_space<hbm>>
        %dma_start3A_126 = tpu.memref_squeeze %dma_start3A_125 : memref<1x1x768xf32, #tpu.memory_space<hbm>> -> memref<1x768xf32, #tpu.memory_space<hbm>>
        %dma_start3A_127 = arith.constant 7 : i32
        %dma_start3A_128 = arith.constant 0 : i32
        %dma_start3A_129 = tpu.memref_slice %arg5[%run_scoped3A, %dma_start3A_127, %dma_start3A_128] : memref<5x77x768xf32, #tpu.memory_space<hbm>> -> memref<1x1x768xf32, #tpu.memory_space<hbm>>
        %dma_start3A_130 = tpu.memref_squeeze %dma_start3A_129 : memref<1x1x768xf32, #tpu.memory_space<hbm>> -> memref<1x768xf32, #tpu.memory_space<hbm>>
        tpu.enqueue_dma source(%arg9 : memref<1x768xf32, #tpu.memory_space<vmem>>) target(%dma_start3A_130 : memref<1x768xf32, #tpu.memory_space<hbm>>) target_semaphore(%run_scoped3A_123 : memref<!tpu.dma_semaphore, #tpu.memory_space<semaphore_mem>>)
        %dma_wait3A = arith.constant 7 : i32
        %dma_wait3A_131 = arith.constant 0 : i32
        %dma_wait3A_132 = tpu.memref_slice %arg5[%run_scoped3A, %dma_wait3A, %dma_wait3A_131] : memref<5x77x768xf32, #tpu.memory_space<hbm>> -> memref<1x1x768xf32, #tpu.memory_space<hbm>>
        %dma_wait3A_133 = tpu.memref_squeeze %dma_wait3A_132 : memref<1x1x768xf32, #tpu.memory_space<hbm>> -> memref<1x768xf32, #tpu.memory_space<hbm>>
        %dma_wait3A_134 = arith.constant 7 : i32
        %dma_wait3A_135 = arith.constant 0 : i32
        %dma_wait3A_136 = tpu.memref_slice %arg5[%run_scoped3A, %dma_wait3A_134, %dma_wait3A_135] : memref<5x77x768xf32, #tpu.memory_space<hbm>> -> memref<1x1x768xf32, #tpu.memory_space<hbm>>
        %dma_wait3A_137 = tpu.memref_squeeze %dma_wait3A_136 : memref<1x1x768xf32, #tpu.memory_space<hbm>> -> memref<1x768xf32, #tpu.memory_space<hbm>>
        tpu.wait_dma2 semaphore(%run_scoped3A_123 : memref<!tpu.dma_semaphore, #tpu.memory_space<semaphore_mem>>) src(%arg9 : memref<1x768xf32, #tpu.memory_space<vmem>>) dst(%dma_wait3A_137 : memref<1x768xf32, #tpu.memory_space<hbm>>)
        tpu.yield
      }) : () -> ()
    } else {
    }
    return
  }
}

</mosaic_0001>

<sc_bundles>
// kernel: kernel.3.cloned.1.call-start
scs
__scs_entry_jumppad:
0x0: {  	(pc) =	sbr.rel $0x88, $3  }
0x1: {  	(tag) =	ssettag $0x0;
	lr =	simm.s32 $0x1  }
0x2: {  	[smem:$0x3F9E] =	sst lr;
	_ =	strace $0xD0000000  }
0x3: {  	_ = 	snop  }
0x4: {  	_ = 	snop  }
0x5: {  	_ = 	snop  }
0x6: {  	_ = 	snop  }
0x7: {  	_ = 	snop  }
__scs_overlays_trampoline_lowered:
0x8: {  	[smem:$0x3FAD] =	sst s0  }
0x9: {  	[smem:$0x3FAE] =	sst s1  }
0xa: {  	[smem:$0x3FAF] =	sst s2  }
0xb: {  	[smem:$0x3FB0] =	sst s3  }
0xc: {  	[smem:$0x3FB1] =	sst s4  }
0xd: {  	[smem:$0x3FB2] =	sst s5  }
0xe: {  	[smem:$0x3FB3] =	sst s6  }
0xf: {  	[smem:$0x3FB4] =	sst s7  }
0x10: {  	[smem:$0x3FB5] =	sst s8  }
0x11: {  	[smem:$0x3FB6] =	sst s9;
	s0 =	simm.s32 @!p0 $0x0  }
0x12: {  	s1 =	sld [smem:$0x3F9C];
	s0 =	simm.s32 @p0 $0x1  }
0x13: {  	[smem:$0x3FB7] =	sst s0;
	s0 =	simm.s32 @!p1 $0x0  }
0x14: {  	s2 =	sld [smem:$0x3F9B];
	s0 =	simm.s32 @p1 $0x1  }
0x15: {  	[smem:$0x3FB8] =	sst s0;
	s0 =	simm.s32 @!p2 $0x0  }
0x16: {  	s3 =	sld [smem:$0x3FDB];
	s0 =	simm.s32 @p2 $0x1  }
0x17: {  	s4 =	simm.s32 $0x1BF5;
	[smem:$0x3FBA] =	sst s0  }
0x18: {  	s0 =	sld [smem:$0x3F9D];
	_ =	swait.ge [sflag:s4], $0x0  }
0x19: {  	s7 =	sld [smem:$0x3F9E]  }
0x1a: {  	s8 =	sadd.s32 $0xFFFFE003, lr  }
0x1b: {  	s9 =	sadd.s32 $0xFFFFFEF7, lr;
	s5 =	simm.s32 $0xFFFFFFFF;
	p2 =	slt.u32 s8, $0xFFFFF086  }
0x1c: {  	p1 =	slt.u32 s9, $0xF7A;
	s5 =	simm.s32 @!p2 $0x0  }
0x1d: {  	s5 =	simm.s32 @p1 $0x1;
	p0 =	seq.s32 s7, s2  }
0x1e: {  	s7 =	smul.u32 @!p0 $0xF7A, s2;
	p2 =	seq.s32 @!p0 s5, $0x0  }
0x1f: {  	s9 =	smul.u32 $0xF7A, s1;
	s8 =	simm.s32 @!p0 $0x1BF5;
	p2 =	por !p2, p0  }
0x20: {  	[sflag:s8] =	ssyncset.s32 @!p0 $0xFFFFF086;
	s6 =	sadd.s32 @!p0 s3, s7;
	s7 =	simm.s32 @!p0 $0x108  }
0x21: {  	s3 =	sadd.s32 s3, s9;
	s6 =	sadd.s32 @!p0 $0x88, s6;
	s7 =	simm.s32 @p2 $0x1082  }
0x22: {  	[simem:s7], [sflag:s8] =	dma.local @!p0 [hbm:s6], $0xF7A  }
0x23: {  	s9 =	sor.u32 $0xD0000000, s2;
	s6 =	simm.s32 $0x108;
	_ =	swait.ge @!p0 [sflag:s8], $0x0  }
0x24: {  	s3 =	sadd.s32 $0x88, s3;
	s6 =	simm.s32 @!p1 $0x1082;
	[sflag:s4] =	ssyncset.s32 $0xFFFFF086  }
0x25: {  	[simem:s6], [sflag:s4] =	dma.local [hbm:s3], $0xF7A  }
0x26: {  	[smem:$0x3F9E] =	sst s1;
	(tag) =	ssettag s2;
	_ =	strace s9  }
0x27: {  	s1 =	sld [smem:$0x3FAE]  }
0x28: {  	s2 =	sld [smem:$0x3FAF]  }
0x29: {  	s4 =	sld [smem:$0x3FB1]  }
0x2a: {  	p0 =	seq.s32 s5, $0x0;
	s5 =	sld [smem:$0x3FB2]  }
0x2b: {  	s6 =	sld [smem:$0x3FB3]  }
0x2c: {  	s7 =	sld [smem:$0x3FB4]  }
0x2d: {  	s3 =	simm.s32 $0x108;
	s8 =	sld [smem:$0x3FB5]  }
0x2e: {  	s3 =	simm.s32 @!p0 $0x1082;
	s9 =	sld [smem:$0x3FB6]  }
0x2f: {  	lr =	sadd.s32 s0, s3;
	s0 =	sld [smem:$0x3FAD]  }
0x30: {  	s3 =	sld [smem:$0x3FB0]  }
0x31: {  	[smem:$0x3FB9] =	sst s10  }
0x32: {  	s10 =	sld [smem:$0x3FB7];
	_ =	sdelay $0x3  }
0x33: {  	p0 =	seq.s32 s10, $0x1;
	s10 =	sld [smem:$0x3FB9];
	_ =	sdelay $0x3  }
0x34: {  	[smem:$0x3FB9] =	sst s10  }
0x35: {  	s10 =	sld [smem:$0x3FB8];
	_ =	sdelay $0x3  }
0x36: {  	p1 =	seq.s32 s10, $0x1;
	s10 =	sld [smem:$0x3FB9];
	_ =	sdelay $0x3  }
0x37: {  	[smem:$0x3FB9] =	sst s10  }
0x38: {  	s10 =	sld [smem:$0x3FBA]  }
0x39: {  	_ = 	snop;
	(pc) =	sbr.ind lr, $3  }
0x3a: {  	_ = 	snop  }
0x3b: {  	_ = 	snop  }
0x3c: {  	p2 =	seq.s32 s10, $0x1;
	s10 =	sld [smem:$0x3FB9]  }
0x3d: {  	_ =	shalt  }
0x3e: {  	_ =	shalt  }
0x3f: {  	_ =	shalt  }
0x40: {  	_ =	shalt  }
0x41: {  	_ =	shalt  }
0x42: {  	_ =	shalt  }
0x43: {  	_ =	shalt  }
0x44: {  	_ =	shalt  }
0x45: {  	_ =	shalt  }
0x46: {  	_ =	shalt  }
0x47: {  	_ =	shalt  }
0x48: {  	_ =	shalt  }
0x49: {  	_ =	shalt  }
0x4a: {  	_ =	shalt  }
0x4b: {  	_ =	shalt  }
0x4c: {  	_ =	shalt  }
0x4d: {  	_ =	shalt  }
0x4e: {  	_ =	shalt  }
0x4f: {  	_ =	shalt  }
0x50: {  	_ =	shalt  }
0x51: {  	_ =	shalt  }
0x52: {  	_ =	shalt  }
0x53: {  	_ =	shalt  }
0x54: {  	_ =	shalt  }
0x55: {  	_ =	shalt  }
0x56: {  	_ =	shalt  }
0x57: {  	_ =	shalt  }
0x58: {  	_ =	shalt  }
0x59: {  	_ =	shalt  }
0x5a: {  	_ =	shalt  }
0x5b: {  	_ =	shalt  }
0x5c: {  	_ =	shalt  }
0x5d: {  	_ =	shalt  }
0x5e: {  	_ =	shalt  }
0x5f: {  	_ =	shalt  }
0x60: {  	_ =	shalt  }
0x61: {  	_ =	shalt  }
0x62: {  	_ =	shalt  }
0x63: {  	_ =	shalt  }
0x64: {  	_ =	shalt  }
0x65: {  	_ =	shalt  }
0x66: {  	_ =	shalt  }
0x67: {  	_ =	shalt  }
0x68: {  	_ =	shalt  }
0x69: {  	_ =	shalt  }
0x6a: {  	_ =	shalt  }
0x6b: {  	_ =	shalt  }
0x6c: {  	_ =	shalt  }
0x6d: {  	_ =	shalt  }
0x6e: {  	_ =	shalt  }
0x6f: {  	_ =	shalt  }
0x70: {  	_ =	shalt  }
0x71: {  	_ =	shalt  }
0x72: {  	_ =	shalt  }
0x73: {  	_ =	shalt  }
0x74: {  	_ =	shalt  }
0x75: {  	_ =	shalt  }
0x76: {  	_ =	shalt  }
0x77: {  	_ =	shalt  }
0x78: {  	_ =	shalt  }
0x79: {  	_ =	shalt  }
0x7a: {  	_ =	shalt  }
0x7b: {  	_ =	shalt  }
0x7c: {  	_ =	shalt  }
0x7d: {  	_ =	shalt  }
0x7e: {  	_ =	shalt  }
0x7f: {  	_ =	shalt  }
0x80: {  	_ =	shalt  }
0x81: {  	_ =	shalt  }
0x82: {  	_ =	shalt  }
0x83: {  	_ =	shalt  }
0x84: {  	_ =	shalt  }
0x85: {  	_ =	shalt  }
0x86: {  	_ =	shalt  }
0x87: {  	_ =	shalt  }
.Lfunc_end0:
.L_simem_size_0:
called_computation_lowered:
.L_overlay_start_0:
0x88: {  	s2 =	sld [smem:$0x3FD9]  }
0x89: {  	s3 =	sld [smem:$0x3FFE];
	_ =	sdelay $0x1  }
0x8a: {  	s1 =	srdreg.scid  }
0x8b: {  	s0 =	sand.u32 $0x1, s1  }
0x8c: {  	s18 =	sshll.u32 s0, $0xA;
	s2 =	sadd.s32 s3, s2  }
0x8d: {  	s2 =	sadd.s32 s2, s18  }
0x8e: {  	[smem:$0x3FC5] =	sst s2  }
0x8f: {  	_ = 	snop  }
0x90: {  	s2 =	sld [smem:$0x3FC9]  }
0x91: {  	s19 =	sld [smem:$0x3FC8]  }
0x92: {  	s4 =	sld [smem:$0x3FC7]  }
0x93: {  	s5 =	sld [smem:$0x3FD0];
	(tm) =	ssettm $0x1  }
0x94: {  	s6 =	sld [smem:$0x3FFB];
	_ =	sdelay $0x3  }
0x95: {  	_ =	strace s6  }
0x96: {  	s6 =	sld [smem:$0x3FFC];
	_ =	sdelay $0x3  }
0x97: {  	_ =	strace s6  }
0x98: {  	s6 =	sld [smem:$0x3FFD];
	_ =	sdelay $0x3  }
0x99: {  	_ =	strace s6  }
0x9a: {  	_ =	strace $0x8FFFFFFF  }
0x9b: {  	s20 =	sld [smem:$0x3FDB];
	_ =	sdelay $0x1  }
0x9c: {  	s7 =	simm.s32 $_scs_section_size  }
0x9d: {  	s8 =	simm.s32 $_size__tile_overlayer_lowered;
	s9 =	simm.s32 $_tile_overlayer_lowered  }
0x9e: {  	s23 =	simm.s32 $0x1BFF;
	s22 =	sshll.u32 s9, $0x1;
	s6 =	sadd.s32 s7, s20  }
0x9f: {  	s10 =	simm.s32 $0x0;
	s21 =	sshll.u32 s8, $0x1;
	s8 =	sadd.s32 s22, s6  }
0xa0: {  	[timem:s10], [sflag:s23] =	dma.local [hbm:s8], s21  }
0xa1: {  	_ =	swait.ge [sflag:s23], s21  }
0xa2: {  	s7 =	ssub.s32 $0x0, s21;
	[sflag:s23] =	ssyncset.done $0x0  }
0xa3: {  	[sflag:s23] =	ssyncadd.s32 s7;
	_ =	sdelay $0x1  }
0xa4: {  	s24 =	simm.s32 $0x1B8B  }
0xa5: {  	_ =	swait.ge [sflag:s24], $0x1  }
0xa6: {  	[sflag:s24] =	ssyncset.done $0x0  }
0xa7: {  	s25 =	simm.s32 $0x1B8E;
	[sflag:s24] =	ssyncadd.s32 $0xFFFFFFFF  }
0xa8: {  	s26 =	simm.s32 $execute0_lowered;
	[smem:$0x3FD2] =	sst s25  }
0xa9: {  	s7 =	sshll.u32 s26, $0x1;
	_ =	strace $0x80000046;
	[dreg:$0x1] =	wrdreg $0xFFFFFFFF  }
0xaa: {  	s28 =	simm.s32 $_size_execute0_lowered;
	s6 =	sadd.s32 s6, s7;
	[dreg:$0x0] =	wrdreg $0x0  }
0xab: {  	s7 =	sshll.u32 s28, $0x1;
	[dreg:$0x2] =	wrdreg s6  }
0xac: {  	[dreg:$0x3] =	wrdreg s7  }
0xad: {  	[dreg:$0x4] =	wrdreg $0xC0  }
0xae: {  	_ =	task [dreg:s10], $0x5FFFF  }
0xaf: {  	[dreg:$0x1] =	wrdreg $0xFFFFFFFF  }
0xb0: {  	[dreg:$0x0] =	wrdreg $0x60  }
0xb1: {  	[dreg:$0x2] =	wrdreg s2  }
0xb2: {  	[dreg:$0x3] =	wrdreg s19  }
0xb3: {  	[dreg:$0x4] =	wrdreg s4  }
0xb4: {  	[dreg:$0x5] =	wrdreg s5  }
0xb5: {  	[dreg:$0x6] =	wrdreg $0x9  }
0xb6: {  	_ =	task.clear_ibuf [dreg:s10], $0x7FFFF;
	_ =	strace $0x90000046  }
0xb7: {  	s29 =	simm.s32 $0x9;
	_ =	strace $0x80000048  }
0xb8: {  	_ =	swait.ge [sflag:s29], $0x1  }
0xb9: {  	[sflag:s29] =	ssyncadd.s32 $0xFFFFFFFF  }
0xba: {  	_ =	strace $0x90000048  }
0xbb: {  	_ =	sfence  }
0xbc: {  	s30 =	sld [smem:$0x0];
	_ =	sdelay $0x2  }
0xbd: {  	s31 =	sshll.u32 s1, $0xD;
	s1 =	sshrl.u32 s1, $0x2  }
0xbe: {  	s3 =	sand.u32 $0x4000, s31;
	s1 =	sadd.s32 s1, s30  }
0xbf: {  	s0 =	sor.u32 s3, s0;
	s1 =	sshll.u32 s1, $0x11  }
0xc0: {  	s0 =	sor.u32 s1, s0  }
0xc1: {  	s0 =	sadd.s32 $0x8F2B, s0  }
0xc2: {  	[sflag:s0] =	ssyncadd.remote.s32 $0x1  }
0xc3: {  	_ =	sfence.sel $0xFFFF  }
0xc4: {  	[dreg:$0x0] =	wrdreg $0xFFFFFFFF;
	(pc) =	sbr.abs _section_cstart, $3  }
0xc5: {  	[dreg:$0x1] =	wrdreg $0xFFFFFFFF  }
0xc6: {  	_ =	task.clear_ibuf [dreg:s10], $0x2FFFF;
	_ =	strace $0x9FFFFFFF  }
0xc7: {  	(tm) =	ssettm $0x7FFFFFFF  }
tec
execute0_lowered:
.L_overlay_start_1:
0x0: {  	(tag) =	ssettag $0x1  }
0x1: {  	s6 =	rddreg [dreg:$0x0]  }
0x2: {  	s8 =	rddreg [dreg:$0x1]  }
0x3: {  	s3 =	rddreg [dreg:$0x2]  }
0x4: {  	s4 =	rddreg [dreg:$0x3]  }
0x5: {  	s0 =	srdreg.scid;
	s1 =	simm.s32 $0x0;
	s5 =	stileid.u32  }
0x6: {  	s0 =	sand.u32 $0x1, s0;
	[smem:$0x7FF] =	sst s1;
	s5 =	sshll.u32 s5, $0x1  }
0x7: {  	s30 =	sadd.s32 $0x300, s6;
	s9 =	sadd.s32 $0x1E00, s4;
	s11 =	sadd.s32 $0x3C00, s4  }
0x8: {  	s13 =	sadd.s32 $0x5A00, s4;
	s15 =	sadd.s32 $0x7800, s4;
	s16 =	sadd.s32 $0x40, s8  }
0x9: {  	s17 =	sadd.s32 $0x7870, s4;
	s18 =	sadd.s32 $0x30, s8;
	s19 =	sadd.s32 $0x5A70, s4  }
0xa: {  	s10 =	sadd.s32 $0x70, s4;
	_ =	strace $0x80000047;
	[dreg:$0x5] =	wrdreg s30  }
0xb: {  	s20 =	sadd.s32 $0x20, s8;
	s12 =	sadd.s32 $0x7E00, s3;
	[dreg:$0x9] =	wrdreg s10  }
0xc: {  	s21 =	sadd.s32 $0x3C70, s4;
	s14 =	sadd.s32 $0x8D00, s4;
	[dreg:$0xa] =	wrdreg s12  }
0xd: {  	s22 =	sadd.s32 $0x10, s8;
	s24 =	sadd.s32 $0x7500, s3;
	[dreg:$0xb] =	wrdreg s14  }
0xe: {  	s23 =	sadd.s32 $0x1E70, s4;
	s26 =	sadd.s32 $0x8400, s4;
	[dreg:$0xc] =	wrdreg s24  }
0xf: {  	s28 =	sadd.s32 $0x6C00, s3;
	s8 =	sadd.s32 $0x5D00, s4;
	[dreg:$0xd] =	wrdreg s26  }
0x10: {  	s31 =	sadd.s32 $0x3300, s4;
	s29 =	ssub.s32 $0x2, s0;
	[dreg:$0xe] =	wrdreg s28  }
0x11: {  	s7 =	sor.u32 s0, s5;
	s5 =	sadd.s32 $0x900, s6;
	[dreg:$0x15] =	wrdreg s8  }
0x12: {  	s30 =	sadd.s32 $0x6300, s3;
	s10 =	sadd.s32 $0x4800, s3;
	[dreg:$0x7] =	wrdreg s5  }
0x13: {  	s12 =	sadd.s32 $0x5100, s4;
	s14 =	sadd.s32 $0x3F00, s3;
	[dreg:$0x10] =	wrdreg s30  }
0x14: {  	s24 =	sadd.s32 $0x4800, s4;
	s26 =	sadd.s32 $0x3600, s3;
	[dreg:$0x16] =	wrdreg s10  }
0x15: {  	s28 =	sadd.s32 $0x3F00, s4;
	s8 =	sadd.s32 $0x2100, s4;
	[dreg:$0x17] =	wrdreg s12  }
0x16: {  	s2 =	sshrl.u32 s29, $0x1;
	p3 =	seq.s32 s7, $0x0;
	[dreg:$0x18] =	wrdreg s14  }
0x17: {  	p4 =	seq.s32 s7, $0x3;
	p6 =	seq.s32 s7, $0x6;
	[dreg:$0x19] =	wrdreg s24  }
0x18: {  	p5 =	seq.s32 s7, $0xC;
	s5 =	sadd.s32 $0x6600, s4;
	[dreg:$0x1a] =	wrdreg s26  }
0x19: {  	[dreg:$0x1b] =	wrdreg s28;
	s10 =	sadd.s32 $0x1200, s3;
	p0 =	seq.s32 @!p3 s7, $0x1  }
0x1a: {  	s12 =	sadd.s32 $0x900, s3;
	s14 =	sadd.s32 $0xC00, s4;
	p2 =	por !p0, p3  }
0x1b: {  	s24 =	sadd.s32 $0x300, s4;
	p1 =	por p0, p3;
	s0 =	simm.s32 @!p2 $0x0  }
0x1c: {  	s30 =	sadd.s32 $0x80, s4;
	p1 =	seq.s32 @!p1 s7, $0x2;
	s0 =	simm.s32 @p2 $0x1  }
0x1d: {  	p0 =	por @!p3 !p1, p0;
	[smem:$0x7E9] =	sst s0;
	s0 =	simm.s32 @!p3 $0x0  }
0x1e: {  	p2 =	seq.s32 @!p4 s7, $0x4;
	p0 =	por p0, p3;
	s0 =	simm.s32 @p3 $0x1  }
0x1f: {  	p1 =	por p2, p4;
	[smem:$0x7EA] =	sst s0;
	s0 =	simm.s32 @!p0 $0x0  }
0x20: {  	s26 =	sadd.s32 $0x100, s4;
	s0 =	simm.s32 @p0 $0x1;
	p0 =	seq.s32 @!p1 s7, $0x5  }
0x21: {  	s28 =	sadd.s32 $0x180, s4;
	p0 =	por @!p4 !p0, p2;
	p2 =	por !p2, p4  }
0x22: {  	s1 =	ssub.s32 s29, s2;
	[smem:$0x7EB] =	sst s0;
	s0 =	simm.s32 @!p2 $0x0  }
0x23: {  	s2 =	sadd.s32 $0x600, s6;
	[dreg:$0x13] =	wrdreg s5;
	s0 =	simm.s32 @p2 $0x1  }
0x24: {  	s6 =	sadd.s32 $0xC00, s6;
	[smem:$0x7EC] =	sst s0;
	s0 =	simm.s32 @!p4 $0x0  }
0x25: {  	p1 =	seq.s32 @!p6 s7, $0x7;
	p0 =	por p0, p4;
	s0 =	simm.s32 @p4 $0x1  }
0x26: {  	p2 =	por p1, p6;
	[smem:$0x7ED] =	sst s0;
	s0 =	simm.s32 @!p0 $0x0  }
0x27: {  	[dreg:$0x1d] =	wrdreg s30;
	s0 =	simm.s32 @p0 $0x1;
	p0 =	seq.s32 @!p2 s7, $0x8  }
0x28: {  	[dreg:$0x1e] =	wrdreg s26;
	p0 =	por @!p6 !p0, p1;
	p1 =	por !p1, p6  }
0x29: {  	s29 =	sadd.s32 $0x7B00, s4;
	[smem:$0x7EE] =	sst s0;
	s0 =	simm.s32 @!p1 $0x0  }
0x2a: {  	s5 =	sadd.s32 $0x2A00, s4;
	[dreg:$0x1f] =	wrdreg s28;
	s0 =	simm.s32 @p1 $0x1  }
0x2b: {  	p2 =	seq.s32 s7, $0x9;
	[smem:$0x7EF] =	sst s0;
	s0 =	simm.s32 @!p6 $0x0  }
0x2c: {  	p3 =	seq.s32 @!p2 s7, $0xA;
	p0 =	por p0, p6;
	s0 =	simm.s32 @p6 $0x1  }
0x2d: {  	p1 =	por p3, p2;
	[smem:$0x7F0] =	sst s0;
	s0 =	simm.s32 @!p0 $0x0  }
0x2e: {  	[dreg:$0x6] =	wrdreg s2;
	s0 =	simm.s32 @p0 $0x1;
	p0 =	seq.s32 @!p1 s7, $0xB  }
0x2f: {  	[dreg:$0x8] =	wrdreg s6;
	p0 =	por @!p2 !p0, p3;
	p3 =	por !p3, p2  }
0x30: {  	s30 =	sadd.s32 $0x280, s4;
	[smem:$0x7F1] =	sst s0;
	s0 =	simm.s32 @!p3 $0x0  }
0x31: {  	s25 =	smax.u32 s1, $0x1;
	[dreg:$0xf] =	wrdreg s29;
	s0 =	simm.s32 @p3 $0x1  }
0x32: {  	s1 =	sadd.s32 $0x6F00, s4;
	[smem:$0x7F2] =	sst s0;
	s0 =	simm.s32 @!p2 $0x0  }
0x33: {  	[smem:$0x7FD] =	sst s30;
	p0 =	por p0, p2;
	s0 =	simm.s32 @p2 $0x1  }
0x34: {  	p4 =	seq.s32 @!p5 s7, $0xD;
	[smem:$0x7F3] =	sst s0;
	s0 =	simm.s32 @!p0 $0x0  }
0x35: {  	[dreg:$0x11] =	wrdreg s1;
	s0 =	simm.s32 @p0 $0x1;
	p0 =	por !p4, p5  }
0x36: {  	s2 =	sadd.s32 $0x5A00, s3;
	[smem:$0x7F4] =	sst s0;
	s0 =	simm.s32 @!p0 $0x0  }
0x37: {  	[dreg:$0x12] =	wrdreg s2;
	s0 =	simm.s32 @p0 $0x1;
	p0 =	sgt.s32 s7, $0x5  }
0x38: {  	s6 =	sadd.s32 $0x5100, s3;
	[smem:$0x7F5] =	sst s0;
	s0 =	simm.s32 @!p0 $0x0  }
0x39: {  	[dreg:$0x14] =	wrdreg s6;
	s0 =	simm.s32 @p0 $0x1;
	p0 =	sgt.s32 s7, $0x2  }
0x3a: {  	s29 =	sadd.s32 $0x2D00, s3;
	[smem:$0x7F6] =	sst s0;
	s0 =	simm.s32 @!p0 $0x0  }
0x3b: {  	[dreg:$0x1c] =	wrdreg s29;
	s0 =	simm.s32 @p0 $0x1;
	p0 =	sgt.s32 s7, $0x8  }
0x3c: {  	s1 =	sadd.s32 $0x1B00, s3;
	[smem:$0x7F7] =	sst s0;
	s0 =	simm.s32 @!p0 $0x0  }
0x3d: {  	s2 =	sadd.s32 $0x1500, s4;
	s0 =	simm.s32 @p0 $0x1;
	p0 =	sgt.s32 s7, $0x11  }
0x3e: {  	s29 =	sadd.s32 $0x200, s4;
	[smem:$0x7F8] =	sst s0;
	s0 =	simm.s32 @!p0 $0x0  }
0x3f: {  	p1 =	por p4, p5;
	s0 =	simm.s32 @p0 $0x1;
	p0 =	sgt.s32 s7, $0xE  }
.Ltmp0:
0x40: {  	[smem:$0x7F9] =	sst s0;
	s0 =	simm.s32 @!p0 $0x0;
	(pc) =	sbr.rel .LBB2_1-.Ltmp0, $4  }
0x41: {  	p1 =	seq.s32 @!p1 s7, $0xE;
	s0 =	simm.s32 @p0 $0x1;
	p0 =	seq.s32 s7, $0xF  }
0x42: {  	p1 =	por @!p5 !p1, p4;
	[smem:$0x7FA] =	sst s0;
	s0 =	simm.s32 @!p0 $0x0  }
0x43: {  	[smem:$0x7FC] =	sst s29;
	p6 =	por p1, p5;
	s0 =	simm.s32 @p0 $0x1  }
0x44: {  	p2 =	sgt.s32 s7, $0xB;
	[smem:$0x7FB] =	sst s0;
	s0 =	sadd.s32 $0x2400, s3  }
.LBB2_4:
0x45: {  	s6 =	sld [smem:$0x7EA];
	_ =	sdelay $0x2  }
0x46: {  	p0 =	seq.s32 s6, $0x1  }
0x47: {  	s6 =	simm.s32 @p0 $0x0;
	s26 =	simm.s32 @p0 $0x1  }
0x48: {  	[tilespmem:s6], [sflag:$0x1] =	stream.linear.gather @p0 [hbm4b:s3+s6], $0x4800, $0x38;
	[tilespmem:$0xAB00] =	vst v63  }
0x49: {  	_ =	swait.ge @p0 [sflag:s26], $0x4800  }
0x4a: {  	[sflag:s26] =	ssyncset.done @p0 $0x0  }
0x4b: {  	[sflag:s26] =	ssyncadd.s32 @p0 $0xFFFFB800  }
0x4c: {  	[hbm4b:s24+s6] =	stream.linear.scatter @p0 [tilespmem:s6], [sflag:$0x1], $0x4800, $0x38;
	[tilespmem:$0xAB00] =	vst v63  }
0x4d: {  	_ =	swait.ge @p0 [sflag:s26], $0x4800  }
0x4e: {  	s29 =	sld [smem:$0x7E9];
	_ =	sdelay $0x1  }
0x4f: {  	[sflag:s26] =	ssyncset.done @p0 $0x0  }
0x50: {  	[sflag:s26] =	ssyncadd.s32 @p0 $0xFFFFB800;
	p0 =	seq.s32 s29, $0x1  }
0x51: {  	s6 =	simm.s32 @!p0 $0x0;
	s26 =	simm.s32 @!p0 $0x1  }
0x52: {  	[tilespmem:s6], [sflag:$0x1] =	stream.linear.gather @!p0 [hbm4b:s12+s6], $0x4800, $0x38;
	[tilespmem:$0xAB00] =	vst v63  }
0x53: {  	_ =	swait.ge @!p0 [sflag:s26], $0x4800  }
0x54: {  	[sflag:s26] =	ssyncset.done @!p0 $0x0  }
0x55: {  	[sflag:s26] =	ssyncadd.s32 @!p0 $0xFFFFB800  }
0x56: {  	[hbm4b:s14+s6] =	stream.linear.scatter @!p0 [tilespmem:s6], [sflag:$0x1], $0x4800, $0x38;
	[tilespmem:$0xAB00] =	vst v63  }
0x57: {  	_ =	swait.ge @!p0 [sflag:s26], $0x4800  }
0x58: {  	s30 =	sld [smem:$0x7EB];
	_ =	sdelay $0x1  }
0x59: {  	[sflag:s26] =	ssyncset.done @!p0 $0x0  }
0x5a: {  	[sflag:s26] =	ssyncadd.s32 @!p0 $0xFFFFB800;
	p0 =	seq.s32 s30, $0x1  }
0x5b: {  	s6 =	simm.s32 @!p0 $0x0;
	s26 =	simm.s32 @!p0 $0x4800;
	s28 =	simm.s32 @!p0 $0x1  }
0x5c: {  	[tilespmem:s26], [sflag:$0x1] =	stream.linear.gather @!p0 [hbm4b:s10+s6], $0x4800, $0x38;
	[tilespmem:$0xAB00] =	vst v63  }
0x5d: {  	_ =	swait.ge @!p0 [sflag:s28], $0x4800  }
0x5e: {  	[sflag:s28] =	ssyncset.done @!p0 $0x0  }
0x5f: {  	[sflag:s28] =	ssyncadd.s32 @!p0 $0xFFFFB800  }
0x60: {  	[hbm4b:s2+s6] =	stream.linear.scatter @!p0 [tilespmem:s26], [sflag:$0x1], $0x4800, $0x38;
	[tilespmem:$0xAB00] =	vst v63  }
0x61: {  	_ =	swait.ge @!p0 [sflag:s28], $0x4800  }
0x62: {  	[sflag:s28] =	ssyncset.done @!p0 $0x0  }
0x63: {  	[sflag:s28] =	ssyncadd.s32 @!p0 $0xFFFFB800  }
.LBB2_18:
0x64: {  	s25 =	sadd.s32 $0xFFFFFFFF, s25  }
0x65: {  	p0 =	sne.s32 s25, $0x0  }
.Ltmp1:
0x66: {  	_ = 	snop;
	(pc) =	sbr.rel @!p0 .LBB2_19-.Ltmp1, $1  }
0x67: {  	_ =	sdelay $0x3  }
.LBB2_1:
.Ltmp2:
0x68: {  	(pc) =	sbr.rel @!p2 .LBB2_2-.Ltmp2, $1  }
0x69: {  	_ =	sdelay $0x3  }
0x6a: {  	s6 =	sld [smem:$0x7F9];
	_ =	sdelay $0x2  }
0x6b: {  	p0 =	seq.s32 s6, $0x1  }
.Ltmp3:
0x6c: {  	_ = 	snop;
	(pc) =	sbr.rel @!p0 .LBB2_10-.Ltmp3, $1  }
0x6d: {  	_ =	sdelay $0x3  }
0x6e: {  	p1 =	sgt.s32 s7, $0x14  }
.Ltmp4:
0x6f: {  	_ = 	snop;
	(pc) =	sbr.rel @!p1 .LBB2_15-.Ltmp4, $1  }
0x70: {  	_ =	sdelay $0x3  }
0x71: {  	p1 =	sgt.s32 s7, $0x16  }
0x72: {  	p3 =	seq.s32 @p1 s7, $0x17  }
0x73: {  	p4 =	por !p3, !p1  }
0x74: {  	s6 =	simm.s32 @!p4 $0x80  }
0x75: {  	s26 =	simm.s32 @!p4 $0x400;
	s28 =	simm.s32 @!p4 $0xA800;
	s29 =	simm.s32 @!p4 $0x1  }
0x76: {  	[tilespmem:s28], [sflag:$0x1] =	stream.strided.gather @!p4 [hbm4b:s18+s6], $0x300, s26, s6, $0x38;
	[tilespmem:$0xAB00] =	vst v63  }
0x77: {  	p0 =	por p3, !p1;
	_ =	swait.ge @!p4 [sflag:s29], $0x300  }
0x78: {  	p0 =	seq.s32 @!p0 s7, $0x18;
	[sflag:s29] =	ssyncset.done @!p4 $0x0  }
0x79: {  	p0 =	por @p1 !p0, p3;
	[sflag:s29] =	ssyncadd.s32 @!p4 $0xFFFFFD00  }
0x7a: {  	[hbm4b:s19+s6] =	stream.strided.scatter @!p4 [tilespmem:s28], [sflag:$0x1], $0x300, s26, s6, $0x38;
	[tilespmem:$0xAB00] =	vst v63  }
0x7b: {  	p0 =	por p0, !p1;
	_ =	swait.ge @!p4 [sflag:s29], $0x300  }
0x7c: {  	s6 =	simm.s32 @!p0 $0x80;
	s26 =	simm.s32 @!p0 $0x400;
	[sflag:s29] =	ssyncset.done @!p4 $0x0  }
0x7d: {  	s28 =	simm.s32 @!p0 $0xA800;
	[sflag:s29] =	ssyncadd.s32 @!p4 $0xFFFFFD00;
	s29 =	simm.s32 @!p0 $0x1  }
0x7e: {  	[tilespmem:s28], [sflag:$0x1] =	stream.strided.gather @!p0 [hbm4b:s16+s6], $0x300, s26, s6, $0x38;
	[tilespmem:$0xAB00] =	vst v63  }
0x7f: {  	_ =	swait.ge @!p0 [sflag:s29], $0x300  }
0x80: {  	[sflag:s29] =	ssyncset.done @!p0 $0x0  }
0x81: {  	p3 =	seq.s32 @!p1 s7, $0x15;
	[sflag:s29] =	ssyncadd.s32 @!p0 $0xFFFFFD00  }
0x82: {  	[hbm4b:s17+s6] =	stream.strided.scatter @!p0 [tilespmem:s28], [sflag:$0x1], $0x300, s26, s6, $0x38;
	[tilespmem:$0xAB00] =	vst v63  }
0x83: {  	p4 =	por !p3, p1;
	_ =	swait.ge @!p0 [sflag:s29], $0x300  }
0x84: {  	s6 =	simm.s32 @!p4 $0x80;
	s26 =	simm.s32 @!p4 $0x400;
	[sflag:s29] =	ssyncset.done @!p0 $0x0  }
0x85: {  	s28 =	simm.s32 @!p4 $0xA800;
	[sflag:s29] =	ssyncadd.s32 @!p0 $0xFFFFFD00;
	s29 =	simm.s32 @!p4 $0x1  }
0x86: {  	[tilespmem:s28], [sflag:$0x1] =	stream.strided.gather @!p4 [hbm4b:s22+s6], $0x300, s26, s6, $0x38;
	[tilespmem:$0xAB00] =	vst v63  }
0x87: {  	p0 =	por p3, p1;
	_ =	swait.ge @!p4 [sflag:s29], $0x300  }
0x88: {  	p0 =	seq.s32 @!p0 s7, $0x16;
	[sflag:s29] =	ssyncset.done @!p4 $0x0  }
0x89: {  	p0 =	por @!p1 !p0, p3;
	[sflag:s29] =	ssyncadd.s32 @!p4 $0xFFFFFD00  }
0x8a: {  	[hbm4b:s23+s6] =	stream.strided.scatter @!p4 [tilespmem:s28], [sflag:$0x1], $0x300, s26, s6, $0x38;
	[tilespmem:$0xAB00] =	vst v63  }
0x8b: {  	p0 =	por p0, p1;
	_ =	swait.ge @!p4 [sflag:s29], $0x300  }
0x8c: {  	s6 =	simm.s32 @!p0 $0x80;
	s26 =	simm.s32 @!p0 $0x400;
	[sflag:s29] =	ssyncset.done @!p4 $0x0  }
0x8d: {  	s28 =	simm.s32 @!p0 $0xA800;
	[sflag:s29] =	ssyncadd.s32 @!p4 $0xFFFFFD00;
	s29 =	simm.s32 @!p0 $0x1  }
0x8e: {  	[tilespmem:s28], [sflag:$0x1] =	stream.strided.gather @!p0 [hbm4b:s20+s6], $0x300, s26, s6, $0x38;
	[tilespmem:$0xAB00] =	vst v63  }
0x8f: {  	_ =	swait.ge @!p0 [sflag:s29], $0x300  }
0x90: {  	[sflag:s29] =	ssyncset.done @!p0 $0x0  }
.Ltmp5:
0x91: {  	[sflag:s29] =	ssyncadd.s32 @!p0 $0xFFFFFD00;
	(pc) =	sbr.rel .LBB2_18-.Ltmp5, $4  }
0x92: {  	[hbm4b:s21+s6] =	stream.strided.scatter @!p0 [tilespmem:s28], [sflag:$0x1], $0x300, s26, s6, $0x38;
	[tilespmem:$0xAB00] =	vst v63  }
0x93: {  	_ =	swait.ge @!p0 [sflag:s29], $0x300  }
0x94: {  	[sflag:s29] =	ssyncset.done @!p0 $0x0  }
0x95: {  	[sflag:s29] =	ssyncadd.s32 @!p0 $0xFFFFFD00  }
.LBB2_2:
0x96: {  	s6 =	sld [smem:$0x7F6];
	_ =	sdelay $0x2  }
0x97: {  	p0 =	seq.s32 s6, $0x1  }
.Ltmp6:
0x98: {  	_ = 	snop;
	(pc) =	sbr.rel @p0 .LBB2_6-.Ltmp6, $1  }
0x99: {  	_ =	sdelay $0x3  }
0x9a: {  	s6 =	sld [smem:$0x7F7];
	_ =	sdelay $0x2  }
0x9b: {  	p0 =	seq.s32 s6, $0x1  }
.Ltmp7:
0x9c: {  	_ = 	snop;
	(pc) =	sbr.rel @!p0 .LBB2_4-.Ltmp7, $1  }
0x9d: {  	_ =	sdelay $0x3  }
0x9e: {  	s6 =	sld [smem:$0x7ED];
	_ =	sdelay $0x2  }
0x9f: {  	p0 =	seq.s32 s6, $0x1  }
0xa0: {  	s6 =	simm.s32 @p0 $0x0;
	s26 =	simm.s32 @p0 $0x1  }
0xa1: {  	[tilespmem:s6], [sflag:$0x1] =	stream.linear.gather @p0 [hbm4b:s1+s6], $0x4800, $0x38;
	[tilespmem:$0xAB00] =	vst v63  }
0xa2: {  	_ =	swait.ge @p0 [sflag:s26], $0x4800  }
0xa3: {  	[sflag:s26] =	ssyncset.done @p0 $0x0  }
0xa4: {  	[sflag:s26] =	ssyncadd.s32 @p0 $0xFFFFB800  }
0xa5: {  	[hbm4b:s8+s6] =	stream.linear.scatter @p0 [tilespmem:s6], [sflag:$0x1], $0x4800, $0x38;
	[tilespmem:$0xAB00] =	vst v63  }
0xa6: {  	_ =	swait.ge @p0 [sflag:s26], $0x4800  }
0xa7: {  	s29 =	sld [smem:$0x7EC];
	_ =	sdelay $0x1  }
0xa8: {  	[sflag:s26] =	ssyncset.done @p0 $0x0  }
0xa9: {  	[sflag:s26] =	ssyncadd.s32 @p0 $0xFFFFB800;
	p0 =	seq.s32 s29, $0x1  }
0xaa: {  	s6 =	simm.s32 @!p0 $0x0;
	s26 =	simm.s32 @!p0 $0x1  }
0xab: {  	[tilespmem:s6], [sflag:$0x1] =	stream.linear.gather @!p0 [hbm4b:s0+s6], $0x4800, $0x38;
	[tilespmem:$0xAB00] =	vst v63  }
0xac: {  	_ =	swait.ge @!p0 [sflag:s26], $0x4800  }
0xad: {  	[sflag:s26] =	ssyncset.done @!p0 $0x0  }
0xae: {  	[sflag:s26] =	ssyncadd.s32 @!p0 $0xFFFFB800  }
0xaf: {  	[hbm4b:s5+s6] =	stream.linear.scatter @!p0 [tilespmem:s6], [sflag:$0x1], $0x4800, $0x38;
	[tilespmem:$0xAB00] =	vst v63  }
0xb0: {  	_ =	swait.ge @!p0 [sflag:s26], $0x4800  }
0xb1: {  	s30 =	sld [smem:$0x7EE];
	_ =	sdelay $0x1  }
0xb2: {  	[sflag:s26] =	ssyncset.done @!p0 $0x0  }
0xb3: {  	[sflag:s26] =	ssyncadd.s32 @!p0 $0xFFFFB800;
	p0 =	seq.s32 s30, $0x1  }
0xb4: {  	s28 =	rddreg [dreg:$0x1c];
	s6 =	simm.s32 @!p0 $0x0;
	s26 =	simm.s32 @!p0 $0x4800  }
0xb5: {  	[tilespmem:s26], [sflag:$0x1] =	stream.linear.gather @!p0 [hbm4b:s28+s6], $0x4800, $0x38;
	[tilespmem:$0xAB00] =	vst v63  }
0xb6: {  	s28 =	simm.s32 @!p0 $0x1  }
0xb7: {  	_ =	swait.ge @!p0 [sflag:s28], $0x4800  }
0xb8: {  	[sflag:s28] =	ssyncset.done @!p0 $0x0  }
.Ltmp8:
0xb9: {  	[sflag:s28] =	ssyncadd.s32 @!p0 $0xFFFFB800;
	(pc) =	sbr.rel .LBB2_18-.Ltmp8, $4  }
0xba: {  	[hbm4b:s31+s6] =	stream.linear.scatter @!p0 [tilespmem:s26], [sflag:$0x1], $0x4800, $0x38;
	[tilespmem:$0xAB00] =	vst v63  }
0xbb: {  	_ =	swait.ge @!p0 [sflag:s28], $0x4800  }
0xbc: {  	[sflag:s28] =	ssyncset.done @!p0 $0x0  }
0xbd: {  	[sflag:s28] =	ssyncadd.s32 @!p0 $0xFFFFB800  }
.LBB2_6:
0xbe: {  	s6 =	sld [smem:$0x7F8];
	_ =	sdelay $0x2  }
0xbf: {  	p0 =	seq.s32 s6, $0x1  }
.Ltmp9:
0xc0: {  	_ = 	snop;
	(pc) =	sbr.rel @p0 .LBB2_8-.Ltmp9, $1  }
0xc1: {  	_ =	sdelay $0x3  }
0xc2: {  	s6 =	sld [smem:$0x7F0];
	_ =	sdelay $0x2  }
0xc3: {  	p0 =	seq.s32 s6, $0x1  }
0xc4: {  	s26 =	rddreg [dreg:$0x1a];
	s6 =	simm.s32 @p0 $0x0  }
0xc5: {  	[tilespmem:s6], [sflag:$0x1] =	stream.linear.gather @p0 [hbm4b:s26+s6], $0x4800, $0x38;
	[tilespmem:$0xAB00] =	vst v63  }
0xc6: {  	s26 =	simm.s32 @p0 $0x1  }
0xc7: {  	_ =	swait.ge @p0 [sflag:s26], $0x4800  }
0xc8: {  	[sflag:s26] =	ssyncset.done @p0 $0x0  }
0xc9: {  	s28 =	rddreg [dreg:$0x1b];
	[sflag:s26] =	ssyncadd.s32 @p0 $0xFFFFB800  }
0xca: {  	[hbm4b:s28+s6] =	stream.linear.scatter @p0 [tilespmem:s6], [sflag:$0x1], $0x4800, $0x38;
	[tilespmem:$0xAB00] =	vst v63  }
0xcb: {  	_ =	swait.ge @p0 [sflag:s26], $0x4800  }
0xcc: {  	s29 =	sld [smem:$0x7EF];
	_ =	sdelay $0x1  }
0xcd: {  	[sflag:s26] =	ssyncset.done @p0 $0x0  }
0xce: {  	[sflag:s26] =	ssyncadd.s32 @p0 $0xFFFFB800;
	p0 =	seq.s32 s29, $0x1  }
0xcf: {  	s26 =	rddreg [dreg:$0x18];
	s6 =	simm.s32 @!p0 $0x0  }
0xd0: {  	[tilespmem:s6], [sflag:$0x1] =	stream.linear.gather @!p0 [hbm4b:s26+s6], $0x4800, $0x38;
	[tilespmem:$0xAB00] =	vst v63  }
0xd1: {  	s26 =	simm.s32 @!p0 $0x1  }
0xd2: {  	_ =	swait.ge @!p0 [sflag:s26], $0x4800  }
0xd3: {  	[sflag:s26] =	ssyncset.done @!p0 $0x0  }
0xd4: {  	s28 =	rddreg [dreg:$0x19];
	[sflag:s26] =	ssyncadd.s32 @!p0 $0xFFFFB800  }
0xd5: {  	[hbm4b:s28+s6] =	stream.linear.scatter @!p0 [tilespmem:s6], [sflag:$0x1], $0x4800, $0x38;
	[tilespmem:$0xAB00] =	vst v63  }
0xd6: {  	_ =	swait.ge @!p0 [sflag:s26], $0x4800  }
0xd7: {  	s30 =	sld [smem:$0x7F1];
	_ =	sdelay $0x1  }
0xd8: {  	[sflag:s26] =	ssyncset.done @!p0 $0x0  }
0xd9: {  	[sflag:s26] =	ssyncadd.s32 @!p0 $0xFFFFB800;
	p0 =	seq.s32 s30, $0x1  }
0xda: {  	s28 =	rddreg [dreg:$0x16];
	s6 =	simm.s32 @!p0 $0x0;
	s26 =	simm.s32 @!p0 $0x4800  }
0xdb: {  	[tilespmem:s26], [sflag:$0x1] =	stream.linear.gather @!p0 [hbm4b:s28+s6], $0x4800, $0x38;
	[tilespmem:$0xAB00] =	vst v63  }
0xdc: {  	s28 =	simm.s32 @!p0 $0x1  }
0xdd: {  	_ =	swait.ge @!p0 [sflag:s28], $0x4800  }
0xde: {  	[sflag:s28] =	ssyncset.done @!p0 $0x0  }
.Ltmp10:
0xdf: {  	s29 =	rddreg [dreg:$0x17];
	[sflag:s28] =	ssyncadd.s32 @!p0 $0xFFFFB800;
	(pc) =	sbr.rel .LBB2_18-.Ltmp10, $4  }
0xe0: {  	[hbm4b:s29+s6] =	stream.linear.scatter @!p0 [tilespmem:s26], [sflag:$0x1], $0x4800, $0x38;
	[tilespmem:$0xAB00] =	vst v63  }
0xe1: {  	_ =	swait.ge @!p0 [sflag:s28], $0x4800  }
0xe2: {  	[sflag:s28] =	ssyncset.done @!p0 $0x0  }
0xe3: {  	[sflag:s28] =	ssyncadd.s32 @!p0 $0xFFFFB800  }
.LBB2_10:
0xe4: {  	s6 =	sld [smem:$0x7FA];
	_ =	sdelay $0x2  }
0xe5: {  	p0 =	seq.s32 s6, $0x1  }
.Ltmp11:
0xe6: {  	_ = 	snop;
	(pc) =	sbr.rel @p0 .LBB2_12-.Ltmp11, $1  }
0xe7: {  	_ =	sdelay $0x3  }
0xe8: {  	s6 =	simm.s32 @p5 $0x0;
	s26 =	rddreg [dreg:$0xe]  }
0xe9: {  	[tilespmem:s6], [sflag:$0x1] =	stream.linear.gather @p5 [hbm4b:s26+s6], $0x4800, $0x38;
	[tilespmem:$0xAB00] =	vst v63  }
0xea: {  	s26 =	simm.s32 @p5 $0x1  }
0xeb: {  	_ =	swait.ge @p5 [sflag:s26], $0x4800  }
0xec: {  	[sflag:s26] =	ssyncset.done @p5 $0x0  }
0xed: {  	s28 =	rddreg [dreg:$0xf];
	[sflag:s26] =	ssyncadd.s32 @p5 $0xFFFFB800  }
0xee: {  	[hbm4b:s28+s6] =	stream.linear.scatter @p5 [tilespmem:s6], [sflag:$0x1], $0x4800, $0x38;
	[tilespmem:$0xAB00] =	vst v63  }
0xef: {  	_ =	swait.ge @p5 [sflag:s26], $0x4800  }
0xf0: {  	s30 =	sld [smem:$0x7F5];
	_ =	sdelay $0x2  }
0xf1: {  	[sflag:s26] =	ssyncset.done @p5 $0x0;
	p0 =	seq.s32 s30, $0x1  }
0xf2: {  	[sflag:s26] =	ssyncadd.s32 @p5 $0xFFFFB800;
	s26 =	rddreg [dreg:$0xc];
	s6 =	simm.s32 @!p0 $0x0  }
0xf3: {  	[tilespmem:s6], [sflag:$0x1] =	stream.linear.gather @!p0 [hbm4b:s26+s6], $0x4800, $0x38;
	[tilespmem:$0xAB00] =	vst v63  }
0xf4: {  	s26 =	simm.s32 @!p0 $0x1  }
0xf5: {  	_ =	swait.ge @!p0 [sflag:s26], $0x4800  }
0xf6: {  	[sflag:s26] =	ssyncset.done @!p0 $0x0  }
0xf7: {  	s28 =	rddreg [dreg:$0xd];
	[sflag:s26] =	ssyncadd.s32 @!p0 $0xFFFFB800  }
0xf8: {  	[hbm4b:s28+s6] =	stream.linear.scatter @!p0 [tilespmem:s6], [sflag:$0x1], $0x4800, $0x38;
	[tilespmem:$0xAB00] =	vst v63  }
0xf9: {  	_ =	swait.ge @!p0 [sflag:s26], $0x4800  }
0xfa: {  	s6 =	simm.s32 @!p6 $0x0;
	[sflag:s26] =	ssyncset.done @!p0 $0x0  }
0xfb: {  	s28 =	rddreg [dreg:$0xa];
	[sflag:s26] =	ssyncadd.s32 @!p0 $0xFFFFB800;
	s26 =	simm.s32 @!p6 $0x4800  }
0xfc: {  	[tilespmem:s26], [sflag:$0x1] =	stream.linear.gather @!p6 [hbm4b:s28+s6], $0x4800, $0x38;
	[tilespmem:$0xAB00] =	vst v63  }
0xfd: {  	s28 =	simm.s32 @!p6 $0x1  }
0xfe: {  	_ =	swait.ge @!p6 [sflag:s28], $0x4800  }
0xff: {  	[sflag:s28] =	ssyncset.done @!p6 $0x0  }
.Ltmp12:
0x100: {  	s29 =	rddreg [dreg:$0xb];
	[sflag:s28] =	ssyncadd.s32 @!p6 $0xFFFFB800;
	(pc) =	sbr.rel .LBB2_18-.Ltmp12, $4  }
0x101: {  	[hbm4b:s29+s6] =	stream.linear.scatter @!p6 [tilespmem:s26], [sflag:$0x1], $0x4800, $0x38;
	[tilespmem:$0xAB00] =	vst v63  }
0x102: {  	_ =	swait.ge @!p6 [sflag:s28], $0x4800  }
0x103: {  	[sflag:s28] =	ssyncset.done @!p6 $0x0  }
0x104: {  	[sflag:s28] =	ssyncadd.s32 @!p6 $0xFFFFB800  }
.LBB2_8:
0x105: {  	s6 =	sld [smem:$0x7F3];
	_ =	sdelay $0x2  }
0x106: {  	p0 =	seq.s32 s6, $0x1  }
0x107: {  	s26 =	rddreg [dreg:$0x14];
	s6 =	simm.s32 @p0 $0x0  }
0x108: {  	[tilespmem:s6], [sflag:$0x1] =	stream.linear.gather @p0 [hbm4b:s26+s6], $0x4800, $0x38;
	[tilespmem:$0xAB00] =	vst v63  }
0x109: {  	s26 =	simm.s32 @p0 $0x1  }
0x10a: {  	_ =	swait.ge @p0 [sflag:s26], $0x4800  }
0x10b: {  	[sflag:s26] =	ssyncset.done @p0 $0x0  }
0x10c: {  	s28 =	rddreg [dreg:$0x15];
	[sflag:s26] =	ssyncadd.s32 @p0 $0xFFFFB800  }
0x10d: {  	[hbm4b:s28+s6] =	stream.linear.scatter @p0 [tilespmem:s6], [sflag:$0x1], $0x4800, $0x38;
	[tilespmem:$0xAB00] =	vst v63  }
0x10e: {  	_ =	swait.ge @p0 [sflag:s26], $0x4800  }
0x10f: {  	s29 =	sld [smem:$0x7F2];
	_ =	sdelay $0x1  }
0x110: {  	[sflag:s26] =	ssyncset.done @p0 $0x0  }
0x111: {  	[sflag:s26] =	ssyncadd.s32 @p0 $0xFFFFB800;
	p0 =	seq.s32 s29, $0x1  }
0x112: {  	s26 =	rddreg [dreg:$0x12];
	s6 =	simm.s32 @!p0 $0x0  }
0x113: {  	[tilespmem:s6], [sflag:$0x1] =	stream.linear.gather @!p0 [hbm4b:s26+s6], $0x4800, $0x38;
	[tilespmem:$0xAB00] =	vst v63  }
0x114: {  	s26 =	simm.s32 @!p0 $0x1  }
0x115: {  	_ =	swait.ge @!p0 [sflag:s26], $0x4800  }
0x116: {  	[sflag:s26] =	ssyncset.done @!p0 $0x0  }
0x117: {  	s28 =	rddreg [dreg:$0x13];
	[sflag:s26] =	ssyncadd.s32 @!p0 $0xFFFFB800  }
0x118: {  	[hbm4b:s28+s6] =	stream.linear.scatter @!p0 [tilespmem:s6], [sflag:$0x1], $0x4800, $0x38;
	[tilespmem:$0xAB00] =	vst v63  }
0x119: {  	_ =	swait.ge @!p0 [sflag:s26], $0x4800  }
0x11a: {  	s30 =	sld [smem:$0x7F4];
	_ =	sdelay $0x1  }
0x11b: {  	[sflag:s26] =	ssyncset.done @!p0 $0x0  }
0x11c: {  	[sflag:s26] =	ssyncadd.s32 @!p0 $0xFFFFB800;
	p0 =	seq.s32 s30, $0x1  }
0x11d: {  	s28 =	rddreg [dreg:$0x10];
	s6 =	simm.s32 @!p0 $0x0;
	s26 =	simm.s32 @!p0 $0x4800  }
0x11e: {  	[tilespmem:s26], [sflag:$0x1] =	stream.linear.gather @!p0 [hbm4b:s28+s6], $0x4800, $0x38;
	[tilespmem:$0xAB00] =	vst v63  }
0x11f: {  	s28 =	simm.s32 @!p0 $0x1  }
0x120: {  	_ =	swait.ge @!p0 [sflag:s28], $0x4800  }
0x121: {  	[sflag:s28] =	ssyncset.done @!p0 $0x0  }
.Ltmp13:
0x122: {  	s29 =	rddreg [dreg:$0x11];
	[sflag:s28] =	ssyncadd.s32 @!p0 $0xFFFFB800;
	(pc) =	sbr.rel .LBB2_18-.Ltmp13, $4  }
0x123: {  	[hbm4b:s29+s6] =	stream.linear.scatter @!p0 [tilespmem:s26], [sflag:$0x1], $0x4800, $0x38;
	[tilespmem:$0xAB00] =	vst v63  }
0x124: {  	_ =	swait.ge @!p0 [sflag:s28], $0x4800  }
0x125: {  	[sflag:s28] =	ssyncset.done @!p0 $0x0  }
0x126: {  	[sflag:s28] =	ssyncadd.s32 @!p0 $0xFFFFB800  }
.LBB2_12:
0x127: {  	s6 =	sld [smem:$0x7FB];
	_ =	sdelay $0x2  }
0x128: {  	p0 =	seq.s32 s6, $0x1  }
.Ltmp14:
0x129: {  	_ = 	snop;
	(pc) =	sbr.rel @p0 .LBB2_17-.Ltmp14, $1  }
0x12a: {  	_ =	sdelay $0x3  }
0x12b: {  	p1 =	seq.s32 s7, $0x10  }
0x12c: {  	s28 =	rddreg [dreg:$0x5];
	s6 =	simm.s32 @p1 $0x0;
	s26 =	simm.s32 @p1 $0x9000  }
0x12d: {  	[tilespmem:s26], [sflag:$0x1] =	stream.linear.gather @p1 [hbm4b:s28+s6], $0x1800, $0x38;
	[tilespmem:$0xAB00] =	vst v63  }
0x12e: {  	s28 =	simm.s32 @p1 $0x1  }
0x12f: {  	_ =	swait.ge @p1 [sflag:s28], $0x1800  }
0x130: {  	[sflag:s28] =	ssyncset.done @p1 $0x0  }
0x131: {  	s29 =	simm.s32 @p1 $0x1800;
	s30 =	simm.s32 @p1 $0x400;
	[sflag:s28] =	ssyncadd.s32 @p1 $0xFFFFE800  }
0x132: {  	[hbm4b:s9+s29] =	stream.strided.scatter @p1 [tilespmem:s26], [sflag:$0x1], $0x0, s30, s29, $0x38;
	[tilespmem:$0xAB00] =	vst v63  }
0x133: {  	_ = 	snop  }
0x134: {  	[hbm4b:s9+s6] =	stream.linear.scatter @p1 [tilespmem:s26], [sflag:$0x1], $0x380, $0x38;
	[tilespmem:$0xAB00] =	vst v63  }
0x135: {  	s29 =	simm.s32 @p1 $0x9400;
	s26 =	sadd.s32 @p1 $0x80, s9  }
0x136: {  	[hbm4b:s26+s6] =	stream.linear.scatter @p1 [tilespmem:s29], [sflag:$0x1], $0x380, $0x38;
	[tilespmem:$0xAB00] =	vst v63  }
0x137: {  	s26 =	sadd.s32 @p1 $0x100, s9;
	s29 =	simm.s32 @p1 $0x9800  }
0x138: {  	[hbm4b:s26+s6] =	stream.linear.scatter @p1 [tilespmem:s29], [sflag:$0x1], $0x380, $0x38;
	[tilespmem:$0xAB00] =	vst v63  }
0x139: {  	s26 =	sadd.s32 @p1 $0x180, s9;
	s29 =	simm.s32 @p1 $0x9C00  }
0x13a: {  	[hbm4b:s26+s6] =	stream.linear.scatter @p1 [tilespmem:s29], [sflag:$0x1], $0x380, $0x38;
	[tilespmem:$0xAB00] =	vst v63  }
0x13b: {  	s26 =	sadd.s32 @p1 $0x200, s9;
	s29 =	simm.s32 @p1 $0xA000  }
0x13c: {  	[hbm4b:s26+s6] =	stream.linear.scatter @p1 [tilespmem:s29], [sflag:$0x1], $0x380, $0x38;
	[tilespmem:$0xAB00] =	vst v63  }
0x13d: {  	p3 =	seq.s32 @!p1 s7, $0x11;
	s26 =	sadd.s32 @p1 $0x280, s9;
	s29 =	simm.s32 @p1 $0xA400  }
0x13e: {  	[hbm4b:s26+s6] =	stream.linear.scatter @p1 [tilespmem:s29], [sflag:$0x1], $0x380, $0x38;
	[tilespmem:$0xAB00] =	vst v63  }
0x13f: {  	p3 =	por !p3, p1;
	_ =	swait.ge @p1 [sflag:s28], $0x1500  }
0x140: {  	s6 =	simm.s32 @!p3 $0x0;
	[sflag:s28] =	ssyncset.done @p1 $0x0  }
0x141: {  	s26 =	simm.s32 @!p3 $0x9000;
	[sflag:s28] =	ssyncadd.s32 @p1 $0xFFFFEB00;
	s28 =	rddreg [dreg:$0x6]  }
0x142: {  	[tilespmem:s26], [sflag:$0x1] =	stream.linear.gather @!p3 [hbm4b:s28+s6], $0x1800, $0x38;
	[tilespmem:$0xAB00] =	vst v63  }
0x143: {  	s28 =	simm.s32 @!p3 $0x1  }
0x144: {  	_ =	swait.ge @!p3 [sflag:s28], $0x1800  }
0x145: {  	[sflag:s28] =	ssyncset.done @!p3 $0x0  }
0x146: {  	s30 =	simm.s32 @!p3 $0x400;
	s29 =	simm.s32 @!p3 $0x1800;
	[sflag:s28] =	ssyncadd.s32 @!p3 $0xFFFFE800  }
0x147: {  	[hbm4b:s11+s29] =	stream.strided.scatter @!p3 [tilespmem:s26], [sflag:$0x1], $0x0, s30, s29, $0x38;
	[tilespmem:$0xAB00] =	vst v63  }
0x148: {  	_ = 	snop  }
0x149: {  	[hbm4b:s11+s6] =	stream.linear.scatter @!p3 [tilespmem:s26], [sflag:$0x1], $0x380, $0x38;
	[tilespmem:$0xAB00] =	vst v63  }
0x14a: {  	s29 =	simm.s32 @!p3 $0x9400;
	s26 =	sadd.s32 @!p3 $0x80, s11  }
0x14b: {  	[hbm4b:s26+s6] =	stream.linear.scatter @!p3 [tilespmem:s29], [sflag:$0x1], $0x380, $0x38;
	[tilespmem:$0xAB00] =	vst v63  }
0x14c: {  	s26 =	sadd.s32 @!p3 $0x100, s11;
	s29 =	simm.s32 @!p3 $0x9800  }
0x14d: {  	[hbm4b:s26+s6] =	stream.linear.scatter @!p3 [tilespmem:s29], [sflag:$0x1], $0x380, $0x38;
	[tilespmem:$0xAB00] =	vst v63  }
0x14e: {  	s26 =	sadd.s32 @!p3 $0x180, s11;
	s29 =	simm.s32 @!p3 $0x9C00  }
0x14f: {  	[hbm4b:s26+s6] =	stream.linear.scatter @!p3 [tilespmem:s29], [sflag:$0x1], $0x380, $0x38;
	[tilespmem:$0xAB00] =	vst v63  }
0x150: {  	s26 =	sadd.s32 @!p3 $0x200, s11;
	s29 =	simm.s32 @!p3 $0xA000  }
0x151: {  	[hbm4b:s26+s6] =	stream.linear.scatter @!p3 [tilespmem:s29], [sflag:$0x1], $0x380, $0x38;
	[tilespmem:$0xAB00] =	vst v63  }
.Ltmp15:
0x152: {  	s26 =	sadd.s32 @!p3 $0x280, s11;
	s29 =	simm.s32 @!p3 $0xA400;
	(pc) =	sbr.rel .LBB2_18-.Ltmp15, $4  }
0x153: {  	[hbm4b:s26+s6] =	stream.linear.scatter @!p3 [tilespmem:s29], [sflag:$0x1], $0x380, $0x38;
	[tilespmem:$0xAB00] =	vst v63  }
0x154: {  	_ =	swait.ge @!p3 [sflag:s28], $0x1500  }
0x155: {  	[sflag:s28] =	ssyncset.done @!p3 $0x0  }
0x156: {  	[sflag:s28] =	ssyncadd.s32 @!p3 $0xFFFFEB00  }
.LBB2_15:
0x157: {  	p1 =	seq.s32 s7, $0x12  }
0x158: {  	s28 =	rddreg [dreg:$0x7];
	s6 =	simm.s32 @p1 $0x0;
	s26 =	simm.s32 @p1 $0x9000  }
0x159: {  	[tilespmem:s26], [sflag:$0x1] =	stream.linear.gather @p1 [hbm4b:s28+s6], $0x1800, $0x38;
	[tilespmem:$0xAB00] =	vst v63  }
0x15a: {  	s28 =	simm.s32 @p1 $0x1  }
0x15b: {  	_ =	swait.ge @p1 [sflag:s28], $0x1800  }
0x15c: {  	[sflag:s28] =	ssyncset.done @p1 $0x0  }
0x15d: {  	s29 =	simm.s32 @p1 $0x1800;
	s30 =	simm.s32 @p1 $0x400;
	[sflag:s28] =	ssyncadd.s32 @p1 $0xFFFFE800  }
0x15e: {  	[hbm4b:s13+s29] =	stream.strided.scatter @p1 [tilespmem:s26], [sflag:$0x1], $0x0, s30, s29, $0x38;
	[tilespmem:$0xAB00] =	vst v63  }
0x15f: {  	_ = 	snop  }
0x160: {  	[hbm4b:s13+s6] =	stream.linear.scatter @p1 [tilespmem:s26], [sflag:$0x1], $0x380, $0x38;
	[tilespmem:$0xAB00] =	vst v63  }
0x161: {  	s29 =	simm.s32 @p1 $0x9400;
	s26 =	sadd.s32 @p1 $0x80, s13  }
0x162: {  	[hbm4b:s26+s6] =	stream.linear.scatter @p1 [tilespmem:s29], [sflag:$0x1], $0x380, $0x38;
	[tilespmem:$0xAB00] =	vst v63  }
0x163: {  	s26 =	sadd.s32 @p1 $0x100, s13;
	s29 =	simm.s32 @p1 $0x9800  }
0x164: {  	[hbm4b:s26+s6] =	stream.linear.scatter @p1 [tilespmem:s29], [sflag:$0x1], $0x380, $0x38;
	[tilespmem:$0xAB00] =	vst v63  }
0x165: {  	s26 =	sadd.s32 @p1 $0x180, s13;
	s29 =	simm.s32 @p1 $0x9C00  }
0x166: {  	[hbm4b:s26+s6] =	stream.linear.scatter @p1 [tilespmem:s29], [sflag:$0x1], $0x380, $0x38;
	[tilespmem:$0xAB00] =	vst v63  }
0x167: {  	s26 =	sadd.s32 @p1 $0x200, s13;
	s29 =	simm.s32 @p1 $0xA000  }
0x168: {  	[hbm4b:s26+s6] =	stream.linear.scatter @p1 [tilespmem:s29], [sflag:$0x1], $0x380, $0x38;
	[tilespmem:$0xAB00] =	vst v63  }
0x169: {  	p3 =	seq.s32 @!p1 s7, $0x13;
	s26 =	sadd.s32 @p1 $0x280, s13;
	s29 =	simm.s32 @p1 $0xA400  }
0x16a: {  	[hbm4b:s26+s6] =	stream.linear.scatter @p1 [tilespmem:s29], [sflag:$0x1], $0x380, $0x38;
	[tilespmem:$0xAB00] =	vst v63  }
0x16b: {  	p4 =	por !p3, p1;
	_ =	swait.ge @p1 [sflag:s28], $0x1500  }
0x16c: {  	s6 =	simm.s32 @!p4 $0x0;
	[sflag:s28] =	ssyncset.done @p1 $0x0  }
0x16d: {  	s26 =	simm.s32 @!p4 $0x9000;
	[sflag:s28] =	ssyncadd.s32 @p1 $0xFFFFEB00;
	s28 =	rddreg [dreg:$0x8]  }
0x16e: {  	[tilespmem:s26], [sflag:$0x1] =	stream.linear.gather @!p4 [hbm4b:s28+s6], $0x1800, $0x38;
	[tilespmem:$0xAB00] =	vst v63  }
0x16f: {  	s28 =	simm.s32 @!p4 $0x1  }
0x170: {  	_ =	swait.ge @!p4 [sflag:s28], $0x1800  }
0x171: {  	[sflag:s28] =	ssyncset.done @!p4 $0x0  }
0x172: {  	s30 =	simm.s32 @!p4 $0x400;
	s29 =	simm.s32 @!p4 $0x1800;
	[sflag:s28] =	ssyncadd.s32 @!p4 $0xFFFFE800  }
0x173: {  	[hbm4b:s15+s29] =	stream.strided.scatter @!p4 [tilespmem:s26], [sflag:$0x1], $0x0, s30, s29, $0x38;
	[tilespmem:$0xAB00] =	vst v63  }
0x174: {  	_ = 	snop  }
0x175: {  	[hbm4b:s15+s6] =	stream.linear.scatter @!p4 [tilespmem:s26], [sflag:$0x1], $0x380, $0x38;
	[tilespmem:$0xAB00] =	vst v63  }
0x176: {  	s29 =	simm.s32 @!p4 $0x9400;
	s26 =	sadd.s32 @!p4 $0x80, s15  }
0x177: {  	[hbm4b:s26+s6] =	stream.linear.scatter @!p4 [tilespmem:s29], [sflag:$0x1], $0x380, $0x38;
	[tilespmem:$0xAB00] =	vst v63  }
0x178: {  	s26 =	sadd.s32 @!p4 $0x100, s15;
	s29 =	simm.s32 @!p4 $0x9800  }
0x179: {  	[hbm4b:s26+s6] =	stream.linear.scatter @!p4 [tilespmem:s29], [sflag:$0x1], $0x380, $0x38;
	[tilespmem:$0xAB00] =	vst v63  }
0x17a: {  	s26 =	sadd.s32 @!p4 $0x180, s15;
	s29 =	simm.s32 @!p4 $0x9C00  }
0x17b: {  	[hbm4b:s26+s6] =	stream.linear.scatter @!p4 [tilespmem:s29], [sflag:$0x1], $0x380, $0x38;
	[tilespmem:$0xAB00] =	vst v63  }
0x17c: {  	p0 =	por p3, p1;
	s26 =	sadd.s32 @!p4 $0x200, s15;
	s29 =	simm.s32 @!p4 $0xA000  }
0x17d: {  	[hbm4b:s26+s6] =	stream.linear.scatter @!p4 [tilespmem:s29], [sflag:$0x1], $0x380, $0x38;
	[tilespmem:$0xAB00] =	vst v63  }
0x17e: {  	p0 =	seq.s32 @!p0 s7, $0x14;
	s26 =	sadd.s32 @!p4 $0x280, s15;
	s29 =	simm.s32 @!p4 $0xA400  }
0x17f: {  	[hbm4b:s26+s6] =	stream.linear.scatter @!p4 [tilespmem:s29], [sflag:$0x1], $0x380, $0x38;
	[tilespmem:$0xAB00] =	vst v63  }
0x180: {  	p0 =	por @!p1 !p0, p3;
	_ =	swait.ge @!p4 [sflag:s28], $0x1500  }
0x181: {  	p0 =	por p0, p1;
	[sflag:s28] =	ssyncset.done @!p4 $0x0  }
0x182: {  	s6 =	simm.s32 @!p0 $0x80;
	[sflag:s28] =	ssyncadd.s32 @!p4 $0xFFFFEB00  }
0x183: {  	s26 =	simm.s32 @!p0 $0x400;
	s28 =	simm.s32 @!p0 $0xA800;
	s29 =	rddreg [dreg:$0x1]  }
0x184: {  	[tilespmem:s28], [sflag:$0x1] =	stream.strided.gather @!p0 [hbm4b:s29+s6], $0x300, s26, s6, $0x38;
	[tilespmem:$0xAB00] =	vst v63  }
0x185: {  	s29 =	simm.s32 @!p0 $0x1  }
0x186: {  	_ =	swait.ge @!p0 [sflag:s29], $0x300  }
0x187: {  	[sflag:s29] =	ssyncset.done @!p0 $0x0  }
.Ltmp16:
0x188: {  	s30 =	rddreg [dreg:$0x9];
	[sflag:s29] =	ssyncadd.s32 @!p0 $0xFFFFFD00;
	(pc) =	sbr.rel .LBB2_18-.Ltmp16, $4  }
0x189: {  	[hbm4b:s30+s6] =	stream.strided.scatter @!p0 [tilespmem:s28], [sflag:$0x1], $0x300, s26, s6, $0x38;
	[tilespmem:$0xAB00] =	vst v63  }
0x18a: {  	_ =	swait.ge @!p0 [sflag:s29], $0x300  }
0x18b: {  	[sflag:s29] =	ssyncset.done @!p0 $0x0  }
0x18c: {  	[sflag:s29] =	ssyncadd.s32 @!p0 $0xFFFFFD00  }
.LBB2_17:
0x18d: {  	s6 =	rddreg [dreg:$0x0]  }
0x18e: {  	s26 =	simm.s32 $0x0;
	s28 =	simm.s32 $0x9000;
	s29 =	simm.s32 $0x1  }
0x18f: {  	[tilespmem:s28], [sflag:$0x1] =	stream.linear.gather [hbm4b:s6+s26], $0x1800, $0x38;
	[tilespmem:$0xAB00] =	vst v63  }
0x190: {  	_ =	swait.ge [sflag:s29], $0x1800  }
0x191: {  	[sflag:s29] =	ssyncset.done $0x0  }
0x192: {  	s30 =	simm.s32 $0x400;
	s6 =	simm.s32 $0x1800;
	[sflag:s29] =	ssyncadd.s32 $0xFFFFE800  }
0x193: {  	[hbm4b:s4+s6] =	stream.strided.scatter [tilespmem:s28], [sflag:$0x1], $0x0, s30, s6, $0x38;
	[tilespmem:$0xAB00] =	vst v63  }
0x194: {  	_ = 	snop  }
0x195: {  	[hbm4b:s4+s26] =	stream.linear.scatter [tilespmem:s28], [sflag:$0x1], $0x380, $0x38;
	[tilespmem:$0xAB00] =	vst v63  }
0x196: {  	s6 =	rddreg [dreg:$0x1d];
	s30 =	simm.s32 $0x9400  }
0x197: {  	[hbm4b:s6+s26] =	stream.linear.scatter [tilespmem:s30], [sflag:$0x1], $0x380, $0x38;
	[tilespmem:$0xAB00] =	vst v63  }
0x198: {  	s6 =	rddreg [dreg:$0x1e];
	s30 =	simm.s32 $0x9800  }
0x199: {  	[hbm4b:s6+s26] =	stream.linear.scatter [tilespmem:s30], [sflag:$0x1], $0x380, $0x38;
	[tilespmem:$0xAB00] =	vst v63  }
0x19a: {  	s6 =	rddreg [dreg:$0x1f];
	s30 =	simm.s32 $0x9C00  }
0x19b: {  	[hbm4b:s6+s26] =	stream.linear.scatter [tilespmem:s30], [sflag:$0x1], $0x380, $0x38;
	[tilespmem:$0xAB00] =	vst v63  }
0x19c: {  	s6 =	sld [smem:$0x7FC];
	_ =	sdelay $0x1  }
0x19d: {  	s30 =	simm.s32 $0xA000  }
0x19e: {  	[hbm4b:s6+s26] =	stream.linear.scatter [tilespmem:s30], [sflag:$0x1], $0x380, $0x38;
	[tilespmem:$0xAB00] =	vst v63  }
0x19f: {  	s6 =	sld [smem:$0x7FD];
	_ =	sdelay $0x1  }
.Ltmp17:
0x1a0: {  	s30 =	simm.s32 $0xA400;
	(pc) =	sbr.rel .LBB2_18-.Ltmp17, $4  }
0x1a1: {  	[hbm4b:s6+s26] =	stream.linear.scatter [tilespmem:s30], [sflag:$0x1], $0x380, $0x38;
	[tilespmem:$0xAB00] =	vst v63  }
0x1a2: {  	_ =	swait.ge [sflag:s29], $0x1500  }
0x1a3: {  	[sflag:s29] =	ssyncset.done $0x0  }
0x1a4: {  	[sflag:s29] =	ssyncadd.s32 $0xFFFFEB00  }
.LBB2_19:
0x1a5: {  	_ =	sfence.sel $0x180000  }
0x1a6: {  	[bflag:$0x0] =	sbarrier.arrive $0xFFFF  }
0x1a7: {  	_ =	strace $0x90000047  }
0x1a8: {  	s0 =	stileid.u32;
	[bflag:$0x2] =	sbarrier.arrive $0xFFFF  }
0x1a9: {  	p0 =	sne.s32 s0, $0x0;
	s0 =	rddreg [dreg:$0x4]  }
0x1aa: {  	s0 =	sadd.s32 @!p0 $0x100000, s0  }
0x1ab: {  	[sflag:s0] =	ssyncadd.tile.s32 @!p0 $0x1;
	_ =	shalt  }
.Lfunc_end2:
_tile_overlayer_lowered:
.L_overlay_start_2:
0x1ac: {  	(tag) =	ssettag $0x2  }
0x1ad: {  	s0 =	rddreg [dreg:$0x0];
	s2 =	stileid.u32  }
0x1ae: {  	s1 =	rddreg [dreg:$0x1];
	p0 =	sne.s32 s2, $0x0  }
0x1af: {  	s3 =	rddreg [dreg:$0x2];
	[bflag:$0x3] =	sbarrier.arrive $0xFFFF;
	s2 =	simm.s32 @!p0 $0x1C01  }
0x1b0: {  	[timem:s3], [sflag:s2] =	dma.local @!p0 [hbm:s0], s1  }
0x1b1: {  	s0 =	simm.s32 @!p0 $0x1  }
0x1b2: {  	_ =	swait.ge @!p0 [sflag:s0], s1  }
0x1b3: {  	s1 =	ssub.s32 @!p0 $0x0, s1;
	[sflag:s0] =	ssyncset.done @!p0 $0x0  }
0x1b4: {  	[sflag:s0] =	ssyncadd.s32 @!p0 s1  }
0x1b5: {  	[bflag:$0x3] =	sbarrier.arrive $0xFFFF  }
0x1b6: {  	_ =	shalt  }

</sc_bundles>
